<compile_context>
chip_gen: v7x
topology: tpu7x:2x2x1
jax: 0.10.2.dev20260603
libtpu: 0.0.44.dev20260713+nightly
codegen_flags: <defaults>
</compile_context>

<pallas_src>
import functools

import jax
import jax.numpy as jnp
from jax import lax
from jax.experimental import pallas as pl
from jax.experimental.pallas import tpu as pltpu
from jax.experimental.pallas import tpu_sc as plsc

_TAU = 0.5
_ITERS = 8
_ROWS = 32

_NBINS = 64
_LANES = 16
_NTILES = 32

_C = float(1.4426950408889634 / max(_TAU, 1e-6))


def _sc_init(s, k_eff):
    B, R = s.shape
    rows_per_tile = B // _NTILES
    nvec = R // _LANES
    mesh = plsc.VectorSubcoreMesh(core_axis_name="c", subcore_axis_name="s")

    @functools.partial(
        pl.kernel,
        out_type=jax.ShapeDtypeStruct((B, 128), jnp.float32),
        mesh=mesh,
        compiler_params=pltpu.CompilerParams(needs_layout_passes=False),
        scratch_types=[
            pltpu.VMEM((R,), jnp.float32),
            pltpu.VMEM((_NBINS * _LANES,), jnp.float32),
            pltpu.VMEM((rows_per_tile, 128), jnp.float32),
        ],
    )
    def init_kernel(s_hbm, t0_hbm, row_v, hist_v, t0_v):
        wid = lax.axis_index("s") * 2 + lax.axis_index("c")
        base = wid * rows_per_tile
        iota = lax.iota(jnp.int32, _LANES)
        ones = jnp.ones((_LANES,), jnp.float32)
        for r in range(rows_per_tile):
            pltpu.sync_copy(s_hbm.at[base + r], row_v)

            def mm_body(i, carry):
                mn, mx = carry
                v = row_v[pl.ds(i * _LANES, _LANES)]
                return jnp.minimum(mn, v), jnp.maximum(mx, v)

            v0 = row_v[pl.ds(0, _LANES)]
            mn_v, mx_v = lax.fori_loop(1, nvec, mm_body, (v0, v0))
            lo = jnp.min(mn_v)
            width = jnp.maximum(jnp.max(mx_v) - lo, jnp.float32(1e-30))
            scale_v = jnp.float32(_NBINS) / jnp.full(
                (_LANES,), width, jnp.float32)
            lo_v = jnp.full((_LANES,), lo, jnp.float32)
            binw = width * jnp.float32(1.0 / _NBINS)

            def zero_body(b, _):
                hist_v[pl.ds(b * _LANES, _LANES)] = jnp.zeros(
                    (_LANES,), jnp.float32)
                return 0

            lax.fori_loop(0, _NBINS, zero_body, 0)

            def hist_body(i, _):
                v = row_v[pl.ds(i * _LANES, _LANES)]
                binf = jnp.clip((v - lo_v) * scale_v, 0.0,
                                jnp.float32(_NBINS - 1))
                idx = binf.astype(jnp.int32) * _LANES + iota
                plsc.addupdate_scatter(hist_v, [idx], ones)
                return 0

            lax.fori_loop(0, nvec, hist_body, 0)

            def scan_body(b, carry):
                acc, t0 = carry
                j = _NBINS - 1 - b
                c = jnp.sum(hist_v[pl.ds(j * _LANES, _LANES)])
                nacc = acc + c
                hit = jnp.logical_and(acc < k_eff, nacc >= k_eff)
                t0 = jnp.where(hit, lo + jnp.float32(j) * binw, t0)
                return nacc, t0

            _, t0 = lax.fori_loop(0, _NBINS, scan_body,
                                  (jnp.float32(0.0), lo))
            t0_vec = jnp.full((_LANES,), t0, jnp.float32)
            for c in range(128 // _LANES):
                t0_v[r, pl.ds(c * _LANES, _LANES)] = t0_vec
        pltpu.sync_copy(t0_v, t0_hbm.at[pl.ds(base, rows_per_tile)])

    return init_kernel(s)


def _gate_kernel(kv_ref, s_ref, t0_ref, o_ref):
    s = s_ref[...]
    k_val = kv_ref[0, 0]
    inv_tau = jnp.float32(1.0 / max(_TAU, 1e-6))
    t0 = t0_ref[...][:, :1]

    def body(_, t):
        e = jnp.exp2((t - s) * jnp.float32(_C))
        g = 1.0 / (1.0 + e)
        sum_g = jnp.sum(g, axis=1, keepdims=True)
        sum_g2 = jnp.sum(g * g, axis=1, keepdims=True)
        fk = sum_g - k_val
        df = (sum_g2 - sum_g) * inv_tau
        return t - fk / (df + jnp.float32(1e-8))

    t = lax.fori_loop(0, _ITERS, body, t0)
    g = 1.0 / (1.0 + jnp.exp2((t - s) * jnp.float32(_C)))
    o_ref[...] = jnp.clip(g, 0.0, 1.0)


def kernel(s, k):
    B, R = s.shape
    k_eff = min(64, R)
    t0 = _sc_init(s, float(k_eff))
    k_val = jnp.minimum(jnp.asarray(k, jnp.float32),
                        jnp.float32(R)).reshape(1, 1)
    rows = _ROWS if B % _ROWS == 0 else B
    return pl.pallas_call(
        _gate_kernel,
        grid=(B // rows,),
        in_specs=[
            pl.BlockSpec((1, 1), lambda i: (0, 0)),
            pl.BlockSpec((rows, R), lambda i: (i, 0)),
            pl.BlockSpec((rows, 128), lambda i: (i, 0)),
        ],
        out_specs=pl.BlockSpec((rows, R), lambda i: (i, 0)),
        out_shape=jax.ShapeDtypeStruct((B, R), jnp.float32),
        compiler_params=pltpu.CompilerParams(
            dimension_semantics=("parallel",)),
    )(k_val, s, t0)

# --- scband reference (transcript-rebuilt; emitter-appended) ---
"""Pipeline reference for scband-gate-logistic-threshold-exact-k-979252543918 (READ-ONLY COPY).

The authoritative reference and input builder live on the scoring server;
editing this copy changes nothing except your own understanding.
"""

import jax, jax.numpy as jnp
import numpy as np

TAU = 0.5
ITERS = 30


def setup_inputs(seed: int = 0) -> dict:
    key = jax.random.key(seed)
    s = jax.random.normal(key, (128, 32768), dtype=jnp.float32)
    return {"s": s, "k": 64}


def reference(s, k):
    B, R = s.shape
    k_eff = min(64, R)
    tau = max(TAU, 1e-06)
    # initial threshold: k-th largest score per row
    t = jax.lax.top_k(s, k_eff)[0][:, -1]
    k_val = jnp.minimum(jnp.asarray(k, dtype=jnp.float32), float(R))
    for _ in range(ITERS):
        g = jax.nn.sigmoid((s - t[:, None]) / tau)
        Fk = jnp.sum(g, axis=1) - k_val
        dFdt = -jnp.sum(g * (1.0 - g) / tau, axis=1)
        t = t - Fk / (dFdt + 1e-08)
    g = jax.nn.sigmoid((s - t[:, None]) / tau)
    return jnp.clip(g, 0.0, 1.0)

if __name__ == "__main__":
    import jax
    _d = setup_inputs()
    print(jax.jit(kernel)(*tuple(_d.values())))

</pallas_src>

<mosaic_0001>
#map = affine_map<(d0, d1) -> (0, 0)>
module attributes {stable_mosaic.version = 14 : i64} {
  func.func @init_kernel(%arg0: i32, %arg1: i32, %arg2: memref<128x32768xf32, #tpu.memory_space<hbm>>, %arg3: memref<128x128xf32, #tpu.memory_space<hbm>>, %arg4: memref<32768xf32, #tpu.memory_space<vmem>>, %arg5: memref<1024xf32, #tpu.memory_space<vmem>>, %arg6: memref<4x128xf32, #tpu.memory_space<vmem>>) attributes {dimension_semantics = [#tpu.dimension_semantics<core_parallel>, #tpu.dimension_semantics<subcore_parallel>], iteration_bounds = array<i64: 2, 16>, scalar_prefetch = 0 : i64, scratch_operands = 3 : i64, tpu.core_type = #tpu.core_type<sc_vector_subcore>, window_params = [{transform_indices = #map}, {transform_indices = #map}]} {
    %mul3A = arith.constant 2 : i32
    %mul3A_0 = arith.muli %arg1, %mul3A : i32
    %add3A = arith.addi %mul3A_0, %arg0 : i32
    %mul3A_1 = arith.constant 4 : i32
    %mul3A_2 = arith.muli %add3A, %mul3A_1 : i32
    %iota3A = tpu.iota {dimensions = array<i32: 0>} : vector<16xi32>
    %broadcast_in_dim3A = arith.constant 1.000000e+00 : f32
    %broadcast_in_dim3A_3 = vector.broadcast %broadcast_in_dim3A : f32 to vector<16xf32>
    %add3A_4 = arith.constant 0 : i32
    %add3A_5 = arith.addi %mul3A_2, %add3A_4 : i32
    "tpu.region"() ({
      %run_scoped3A = tpu.sem_alloc : memref<!tpu.dma_semaphore, #tpu.memory_space<semaphore_mem>>
      %dma_start3A = arith.constant 0 : i32
      %dma_start3A_324 = tpu.memref_slice %arg2[%add3A_5, %dma_start3A] : memref<128x32768xf32, #tpu.memory_space<hbm>> -> memref<1x32768xf32, #tpu.memory_space<hbm>>
      %dma_start3A_325 = tpu.memref_squeeze %dma_start3A_324 : memref<1x32768xf32, #tpu.memory_space<hbm>> -> memref<32768xf32, #tpu.memory_space<hbm>>
      %dma_start3A_326 = arith.constant 0 : i32
      %dma_start3A_327 = tpu.memref_slice %arg2[%add3A_5, %dma_start3A_326] : memref<128x32768xf32, #tpu.memory_space<hbm>> -> memref<1x32768xf32, #tpu.memory_space<hbm>>
      %dma_start3A_328 = tpu.memref_squeeze %dma_start3A_327 : memref<1x32768xf32, #tpu.memory_space<hbm>> -> memref<32768xf32, #tpu.memory_space<hbm>>
      tpu.enqueue_dma source(%dma_start3A_328 : memref<32768xf32, #tpu.memory_space<hbm>>) target(%arg4 : memref<32768xf32, #tpu.memory_space<vmem>>) target_semaphore(%run_scoped3A : memref<!tpu.dma_semaphore, #tpu.memory_space<semaphore_mem>>)
      %dma_wait3A = arith.constant 0 : i32
      %dma_wait3A_329 = tpu.memref_slice %arg2[%add3A_5, %dma_wait3A] : memref<128x32768xf32, #tpu.memory_space<hbm>> -> memref<1x32768xf32, #tpu.memory_space<hbm>>
      %dma_wait3A_330 = tpu.memref_squeeze %dma_wait3A_329 : memref<1x32768xf32, #tpu.memory_space<hbm>> -> memref<32768xf32, #tpu.memory_space<hbm>>
      %dma_wait3A_331 = arith.constant 0 : i32
      %dma_wait3A_332 = tpu.memref_slice %arg2[%add3A_5, %dma_wait3A_331] : memref<128x32768xf32, #tpu.memory_space<hbm>> -> memref<1x32768xf32, #tpu.memory_space<hbm>>
      %dma_wait3A_333 = tpu.memref_squeeze %dma_wait3A_332 : memref<1x32768xf32, #tpu.memory_space<hbm>> -> memref<32768xf32, #tpu.memory_space<hbm>>
      tpu.wait_dma2 semaphore(%run_scoped3A : memref<!tpu.dma_semaphore, #tpu.memory_space<semaphore_mem>>) src(%dma_wait3A_333 : memref<32768xf32, #tpu.memory_space<hbm>>) dst(%arg4 : memref<32768xf32, #tpu.memory_space<vmem>>)
      tpu.yield
    }) : () -> ()
    %get3A = arith.constant 0 : index
    %get3A_6 = tpu.vector_load %arg4[%get3A] {strides = array<i32>} : memref<32768xf32, #tpu.memory_space<vmem>>, vector<16xf32>,
    %scan3A = arith.constant 1 : i32
    %scan3A_7 = arith.constant 2047 : i32
    %scan3A_8 = arith.addi %scan3A, %scan3A_7 : i32
    %scan3A_9 = arith.constant 1 : i32
    %scan3A_10:2 = scf.for %scan3A_324 = %scan3A to %scan3A_8 step %scan3A_9 iter_args(%scan3A_325 = %get3A_6, %scan3A_326 = %get3A_6) -> (vector<16xf32>, vector<16xf32>)  : i32 {
      %mul3A_327 = arith.constant 16 : i32
      %mul3A_328 = arith.muli %scan3A_324, %mul3A_327 : i32
      %get3A_329 = arith.index_cast %mul3A_328 : i32 to index
      %get3A_330 = tpu.vector_load %arg4[%get3A_329] {strides = array<i32>} : memref<32768xf32, #tpu.memory_space<vmem>>, vector<16xf32>,
      %min3A = arith.minimumf %scan3A_325, %get3A_330 : vector<16xf32>
      %max3A_331 = arith.maximumf %scan3A_326, %get3A_330 : vector<16xf32>
      scf.yield %min3A, %max3A_331 : vector<16xf32>, vector<16xf32>
    }
    %scan3A_11 = arith.constant 2047 : i32
    %reduce_min3A = arith.constant true
    %reduce_min3A_12 = vector.broadcast %reduce_min3A : i1 to vector<16xi1>
    %reduce_min3A_13 = tpu.scan <min>, %scan3A_10#0 masked %reduce_min3A_12 : vector<16xf32>, vector<16xi1> -> vector<16xf32>
    %reduce_min3A_14 = vector.extract %reduce_min3A_13[15] : f32 from vector<16xf32>
    %reduce_max3A = arith.constant true
    %reduce_max3A_15 = vector.broadcast %reduce_max3A : i1 to vector<16xi1>
    %reduce_max3A_16 = tpu.scan <max>, %scan3A_10#1 masked %reduce_max3A_15 : vector<16xf32>, vector<16xi1> -> vector<16xf32>
    %reduce_max3A_17 = vector.extract %reduce_max3A_16[15] : f32 from vector<16xf32>
    %sub3A = arith.subf %reduce_max3A_17, %reduce_min3A_14 : f32
    %max3A = arith.constant 1.000000e-30 : f32
    %max3A_18 = arith.maximumf %sub3A, %max3A : f32
    %broadcast_in_dim3A_19 = vector.broadcast %max3A_18 : f32 to vector<16xf32>
    %div3A = arith.constant 6.400000e+01 : f32
    %div3A_20 = vector.broadcast %div3A : f32 to vector<16xf32>
    %div3A_21 = arith.divf %div3A_20, %broadcast_in_dim3A_19 : vector<16xf32>
    %broadcast_in_dim3A_22 = vector.broadcast %reduce_min3A_14 : f32 to vector<16xf32>
    %mul3A_23 = arith.constant 1.562500e-02 : f32
    %mul3A_24 = arith.mulf %max3A_18, %mul3A_23 : f32
    %scan3A_25 = arith.constant 0 : i32
    %scan3A_26 = arith.constant 0 : i32
    %scan3A_27 = arith.constant 64 : i32
    %scan3A_28 = arith.addi %scan3A_26, %scan3A_27 : i32
    %scan3A_29 = arith.constant 1 : i32
    %scan3A_30 = scf.for %scan3A_324 = %scan3A_26 to %scan3A_28 step %scan3A_29 iter_args(%scan3A_325 = %scan3A_25) -> (i32)  : i32 {
      %broadcast_in_dim3A_326 = arith.constant 0.000000e+00 : f32
      %broadcast_in_dim3A_327 = vector.broadcast %broadcast_in_dim3A_326 : f32 to vector<16xf32>
      %mul3A_328 = arith.constant 16 : i32
      %mul3A_329 = arith.muli %scan3A_324, %mul3A_328 : i32
      %swap3A_330 = arith.index_cast %mul3A_329 : i32 to index
      %swap3A_331 = tpu.vector_load %arg5[%swap3A_330] {strides = array<i32>} : memref<1024xf32, #tpu.memory_space<vmem>>, vector<16xf32>,
      tpu.vector_store %arg5[%swap3A_330], %broadcast_in_dim3A_327 {strides = array<i32>} : memref<1024xf32, #tpu.memory_space<vmem>>, vector<16xf32>,
      %scan3A_332 = arith.constant 0 : i32
      scf.yield %scan3A_332 : i32
    }
    %scan3A_31 = arith.constant 64 : i32
    %scan3A_32 = arith.constant 0 : i32
    %scan3A_33 = arith.constant 0 : i32
    %scan3A_34 = arith.constant 2048 : i32
    %scan3A_35 = arith.addi %scan3A_33, %scan3A_34 : i32
    %scan3A_36 = arith.constant 1 : i32
    %scan3A_37 = scf.for %scan3A_324 = %scan3A_33 to %scan3A_35 step %scan3A_36 iter_args(%scan3A_325 = %scan3A_32) -> (i32)  : i32 {
      %mul3A_326 = arith.constant 16 : i32
      %mul3A_327 = arith.muli %scan3A_324, %mul3A_326 : i32
      %get3A_328 = arith.index_cast %mul3A_327 : i32 to index
      %get3A_329 = tpu.vector_load %arg4[%get3A_328] {strides = array<i32>} : memref<32768xf32, #tpu.memory_space<vmem>>, vector<16xf32>,
      %sub3A_330 = arith.subf %get3A_329, %broadcast_in_dim3A_22 : vector<16xf32>
      %mul3A_331 = arith.mulf %sub3A_330, %div3A_21 : vector<16xf32>
      %jit3A = arith.constant 0.000000e+00 : f32
      %jit3A_332 = arith.constant 6.300000e+01 : f32
      %max3A_333 = vector.broadcast %jit3A : f32 to vector<16xf32>
      %max3A_334 = arith.maximumf %max3A_333, %mul3A_331 : vector<16xf32>
      %min3A = vector.broadcast %jit3A_332 : f32 to vector<16xf32>
      %min3A_335 = arith.minimumf %min3A, %max3A_334 : vector<16xf32>
      %convert_element_type3A = arith.fptosi %min3A_335 : vector<16xf32> to vector<16xi32>
      %mul3A_336 = arith.constant 16 : i32
      %mul3A_337 = vector.broadcast %mul3A_336 : i32 to vector<16xi32>
      %mul3A_338 = arith.muli %convert_element_type3A, %mul3A_337 : vector<16xi32>
      %add3A_339 = arith.addi %mul3A_338, %iota3A : vector<16xi32>
      tpu.vector_store_idx %arg5[%add3A_339], %broadcast_in_dim3A_3 {add = true} : memref<1024xf32, #tpu.memory_space<vmem>>[vector<16xi32>], vector<16xf32>,
      %scan3A_340 = arith.constant 0 : i32
      scf.yield %scan3A_340 : i32
    }
    %scan3A_38 = arith.constant 2048 : i32
    %scan3A_39 = arith.constant 0.000000e+00 : f32
    %scan3A_40 = arith.constant 0 : i32
    %scan3A_41 = arith.constant 64 : i32
    %scan3A_42 = arith.addi %scan3A_40, %scan3A_41 : i32
    %scan3A_43 = arith.constant 1 : i32
    %scan3A_44:2 = scf.for %scan3A_324 = %scan3A_40 to %scan3A_42 step %scan3A_43 iter_args(%scan3A_325 = %scan3A_39, %scan3A_326 = %reduce_min3A_14) -> (f32, f32)  : i32 {
      %sub3A_327 = arith.constant 63 : i32
      %sub3A_328 = arith.subi %sub3A_327, %scan3A_324 : i32
      %mul3A_329 = arith.constant 16 : i32
      %mul3A_330 = arith.muli %sub3A_328, %mul3A_329 : i32
      %get3A_331 = arith.index_cast %mul3A_330 : i32 to index
      %get3A_332 = tpu.vector_load %arg5[%get3A_331] {strides = array<i32>} : memref<1024xf32, #tpu.memory_space<vmem>>, vector<16xf32>,
      %reduce_sum3A = arith.constant true
      %reduce_sum3A_333 = vector.broadcast %reduce_sum3A : i1 to vector<16xi1>
      %reduce_sum3A_334 = tpu.scan <sum>, %get3A_332 masked %reduce_sum3A_333 : vector<16xf32>, vector<16xi1> -> vector<16xf32>
      %reduce_sum3A_335 = vector.extract %reduce_sum3A_334[15] : f32 from vector<16xf32>
      %add3A_336 = arith.addf %scan3A_325, %reduce_sum3A_335 : f32
      %lt3A = arith.constant 6.400000e+01 : f32
      %lt3A_337 = arith.cmpf olt, %scan3A_325, %lt3A : f32
      %ge3A = arith.constant 6.400000e+01 : f32
      %ge3A_338 = arith.cmpf oge, %add3A_336, %ge3A : f32
      %and3A = arith.andi %lt3A_337, %ge3A_338 : i1
      %convert_element_type3A = arith.sitofp %sub3A_328 : i32 to f32
      %mul3A_339 = arith.mulf %convert_element_type3A, %mul3A_24 : f32
      %add3A_340 = arith.addf %reduce_min3A_14, %mul3A_339 : f32
      %select_n3A = arith.select %and3A, %add3A_340, %scan3A_326 : f32
      scf.yield %add3A_336, %select_n3A : f32, f32
    }
    %scan3A_45 = arith.constant 64 : i32
    %broadcast_in_dim3A_46 = vector.broadcast %scan3A_44#1 : f32 to vector<16xf32>
    %swap3A = arith.constant 0 : i32
    %swap3A_47 = arith.index_cast %swap3A : i32 to index
    %swap3A_48 = arith.constant 0 : index
    %swap3A_49 = tpu.vector_load %arg6[%swap3A_47, %swap3A_48] {strides = array<i32>} : memref<4x128xf32, #tpu.memory_space<vmem>>, vector<16xf32>,
    tpu.vector_store %arg6[%swap3A_47, %swap3A_48], %broadcast_in_dim3A_46 {strides = array<i32>} : memref<4x128xf32, #tpu.memory_space<vmem>>, vector<16xf32>,
    %swap3A_50 = arith.constant 0 : i32
    %swap3A_51 = arith.index_cast %swap3A_50 : i32 to index
    %swap3A_52 = arith.constant 16 : index
    %swap3A_53 = tpu.vector_load %arg6[%swap3A_51, %swap3A_52] {strides = array<i32>} : memref<4x128xf32, #tpu.memory_space<vmem>>, vector<16xf32>,
    tpu.vector_store %arg6[%swap3A_51, %swap3A_52], %broadcast_in_dim3A_46 {strides = array<i32>} : memref<4x128xf32, #tpu.memory_space<vmem>>, vector<16xf32>,
    %swap3A_54 = arith.constant 0 : i32
    %swap3A_55 = arith.index_cast %swap3A_54 : i32 to index
    %swap3A_56 = arith.constant 32 : index
    %swap3A_57 = tpu.vector_load %arg6[%swap3A_55, %swap3A_56] {strides = array<i32>} : memref<4x128xf32, #tpu.memory_space<vmem>>, vector<16xf32>,
    tpu.vector_store %arg6[%swap3A_55, %swap3A_56], %broadcast_in_dim3A_46 {strides = array<i32>} : memref<4x128xf32, #tpu.memory_space<vmem>>, vector<16xf32>,
    %swap3A_58 = arith.constant 0 : i32
    %swap3A_59 = arith.index_cast %swap3A_58 : i32 to index
    %swap3A_60 = arith.constant 48 : index
    %swap3A_61 = tpu.vector_load %arg6[%swap3A_59, %swap3A_60] {strides = array<i32>} : memref<4x128xf32, #tpu.memory_space<vmem>>, vector<16xf32>,
    tpu.vector_store %arg6[%swap3A_59, %swap3A_60], %broadcast_in_dim3A_46 {strides = array<i32>} : memref<4x128xf32, #tpu.memory_space<vmem>>, vector<16xf32>,
    %swap3A_62 = arith.constant 0 : i32
    %swap3A_63 = arith.index_cast %swap3A_62 : i32 to index
    %swap3A_64 = arith.constant 64 : index
    %swap3A_65 = tpu.vector_load %arg6[%swap3A_63, %swap3A_64] {strides = array<i32>} : memref<4x128xf32, #tpu.memory_space<vmem>>, vector<16xf32>,
    tpu.vector_store %arg6[%swap3A_63, %swap3A_64], %broadcast_in_dim3A_46 {strides = array<i32>} : memref<4x128xf32, #tpu.memory_space<vmem>>, vector<16xf32>,
    %swap3A_66 = arith.constant 0 : i32
    %swap3A_67 = arith.index_cast %swap3A_66 : i32 to index
    %swap3A_68 = arith.constant 80 : index
    %swap3A_69 = tpu.vector_load %arg6[%swap3A_67, %swap3A_68] {strides = array<i32>} : memref<4x128xf32, #tpu.memory_space<vmem>>, vector<16xf32>,
    tpu.vector_store %arg6[%swap3A_67, %swap3A_68], %broadcast_in_dim3A_46 {strides = array<i32>} : memref<4x128xf32, #tpu.memory_space<vmem>>, vector<16xf32>,
    %swap3A_70 = arith.constant 0 : i32
    %swap3A_71 = arith.index_cast %swap3A_70 : i32 to index
    %swap3A_72 = arith.constant 96 : index
    %swap3A_73 = tpu.vector_load %arg6[%swap3A_71, %swap3A_72] {strides = array<i32>} : memref<4x128xf32, #tpu.memory_space<vmem>>, vector<16xf32>,
    tpu.vector_store %arg6[%swap3A_71, %swap3A_72], %broadcast_in_dim3A_46 {strides = array<i32>} : memref<4x128xf32, #tpu.memory_space<vmem>>, vector<16xf32>,
    %swap3A_74 = arith.constant 0 : i32
    %swap3A_75 = arith.index_cast %swap3A_74 : i32 to index
    %swap3A_76 = arith.constant 112 : index
    %swap3A_77 = tpu.vector_load %arg6[%swap3A_75, %swap3A_76] {strides = array<i32>} : memref<4x128xf32, #tpu.memory_space<vmem>>, vector<16xf32>,
    tpu.vector_store %arg6[%swap3A_75, %swap3A_76], %broadcast_in_dim3A_46 {strides = array<i32>} : memref<4x128xf32, #tpu.memory_space<vmem>>, vector<16xf32>,
    %add3A_78 = arith.constant 1 : i32
    %add3A_79 = arith.addi %mul3A_2, %add3A_78 : i32
    "tpu.region"() ({
      %run_scoped3A = tpu.sem_alloc : memref<!tpu.dma_semaphore, #tpu.memory_space<semaphore_mem>>
      %dma_start3A = arith.constant 0 : i32
      %dma_start3A_324 = tpu.memref_slice %arg2[%add3A_79, %dma_start3A] : memref<128x32768xf32, #tpu.memory_space<hbm>> -> memref<1x32768xf32, #tpu.memory_space<hbm>>
      %dma_start3A_325 = tpu.memref_squeeze %dma_start3A_324 : memref<1x32768xf32, #tpu.memory_space<hbm>> -> memref<32768xf32, #tpu.memory_space<hbm>>
      %dma_start3A_326 = arith.constant 0 : i32
      %dma_start3A_327 = tpu.memref_slice %arg2[%add3A_79, %dma_start3A_326] : memref<128x32768xf32, #tpu.memory_space<hbm>> -> memref<1x32768xf32, #tpu.memory_space<hbm>>
      %dma_start3A_328 = tpu.memref_squeeze %dma_start3A_327 : memref<1x32768xf32, #tpu.memory_space<hbm>> -> memref<32768xf32, #tpu.memory_space<hbm>>
      tpu.enqueue_dma source(%dma_start3A_328 : memref<32768xf32, #tpu.memory_space<hbm>>) target(%arg4 : memref<32768xf32, #tpu.memory_space<vmem>>) target_semaphore(%run_scoped3A : memref<!tpu.dma_semaphore, #tpu.memory_space<semaphore_mem>>)
      %dma_wait3A = arith.constant 0 : i32
      %dma_wait3A_329 = tpu.memref_slice %arg2[%add3A_79, %dma_wait3A] : memref<128x32768xf32, #tpu.memory_space<hbm>> -> memref<1x32768xf32, #tpu.memory_space<hbm>>
      %dma_wait3A_330 = tpu.memref_squeeze %dma_wait3A_329 : memref<1x32768xf32, #tpu.memory_space<hbm>> -> memref<32768xf32, #tpu.memory_space<hbm>>
      %dma_wait3A_331 = arith.constant 0 : i32
      %dma_wait3A_332 = tpu.memref_slice %arg2[%add3A_79, %dma_wait3A_331] : memref<128x32768xf32, #tpu.memory_space<hbm>> -> memref<1x32768xf32, #tpu.memory_space<hbm>>
      %dma_wait3A_333 = tpu.memref_squeeze %dma_wait3A_332 : memref<1x32768xf32, #tpu.memory_space<hbm>> -> memref<32768xf32, #tpu.memory_space<hbm>>
      tpu.wait_dma2 semaphore(%run_scoped3A : memref<!tpu.dma_semaphore, #tpu.memory_space<semaphore_mem>>) src(%dma_wait3A_333 : memref<32768xf32, #tpu.memory_space<hbm>>) dst(%arg4 : memref<32768xf32, #tpu.memory_space<vmem>>)
      tpu.yield
    }) : () -> ()
    %get3A_80 = arith.constant 0 : index
    %get3A_81 = tpu.vector_load %arg4[%get3A_80] {strides = array<i32>} : memref<32768xf32, #tpu.memory_space<vmem>>, vector<16xf32>,
    %scan3A_82 = arith.constant 1 : i32
    %scan3A_83 = arith.constant 2047 : i32
    %scan3A_84 = arith.addi %scan3A_82, %scan3A_83 : i32
    %scan3A_85 = arith.constant 1 : i32
    %scan3A_86:2 = scf.for %scan3A_324 = %scan3A_82 to %scan3A_84 step %scan3A_85 iter_args(%scan3A_325 = %get3A_81, %scan3A_326 = %get3A_81) -> (vector<16xf32>, vector<16xf32>)  : i32 {
      %mul3A_327 = arith.constant 16 : i32
      %mul3A_328 = arith.muli %scan3A_324, %mul3A_327 : i32
      %get3A_329 = arith.index_cast %mul3A_328 : i32 to index
      %get3A_330 = tpu.vector_load %arg4[%get3A_329] {strides = array<i32>} : memref<32768xf32, #tpu.memory_space<vmem>>, vector<16xf32>,
      %min3A = arith.minimumf %scan3A_325, %get3A_330 : vector<16xf32>
      %max3A_331 = arith.maximumf %scan3A_326, %get3A_330 : vector<16xf32>
      scf.yield %min3A, %max3A_331 : vector<16xf32>, vector<16xf32>
    }
    %scan3A_87 = arith.constant 2047 : i32
    %reduce_min3A_88 = arith.constant true
    %reduce_min3A_89 = vector.broadcast %reduce_min3A_88 : i1 to vector<16xi1>
    %reduce_min3A_90 = tpu.scan <min>, %scan3A_86#0 masked %reduce_min3A_89 : vector<16xf32>, vector<16xi1> -> vector<16xf32>
    %reduce_min3A_91 = vector.extract %reduce_min3A_90[15] : f32 from vector<16xf32>
    %reduce_max3A_92 = arith.constant true
    %reduce_max3A_93 = vector.broadcast %reduce_max3A_92 : i1 to vector<16xi1>
    %reduce_max3A_94 = tpu.scan <max>, %scan3A_86#1 masked %reduce_max3A_93 : vector<16xf32>, vector<16xi1> -> vector<16xf32>
    %reduce_max3A_95 = vector.extract %reduce_max3A_94[15] : f32 from vector<16xf32>
    %sub3A_96 = arith.subf %reduce_max3A_95, %reduce_min3A_91 : f32
    %max3A_97 = arith.constant 1.000000e-30 : f32
    %max3A_98 = arith.maximumf %sub3A_96, %max3A_97 : f32
    %broadcast_in_dim3A_99 = vector.broadcast %max3A_98 : f32 to vector<16xf32>
    %div3A_100 = arith.constant 6.400000e+01 : f32
    %div3A_101 = vector.broadcast %div3A_100 : f32 to vector<16xf32>
    %div3A_102 = arith.divf %div3A_101, %broadcast_in_dim3A_99 : vector<16xf32>
    %broadcast_in_dim3A_103 = vector.broadcast %reduce_min3A_91 : f32 to vector<16xf32>
    %mul3A_104 = arith.constant 1.562500e-02 : f32
    %mul3A_105 = arith.mulf %max3A_98, %mul3A_104 : f32
    %scan3A_106 = arith.constant 0 : i32
    %scan3A_107 = arith.constant 0 : i32
    %scan3A_108 = arith.constant 64 : i32
    %scan3A_109 = arith.addi %scan3A_107, %scan3A_108 : i32
    %scan3A_110 = arith.constant 1 : i32
    %scan3A_111 = scf.for %scan3A_324 = %scan3A_107 to %scan3A_109 step %scan3A_110 iter_args(%scan3A_325 = %scan3A_106) -> (i32)  : i32 {
      %broadcast_in_dim3A_326 = arith.constant 0.000000e+00 : f32
      %broadcast_in_dim3A_327 = vector.broadcast %broadcast_in_dim3A_326 : f32 to vector<16xf32>
      %mul3A_328 = arith.constant 16 : i32
      %mul3A_329 = arith.muli %scan3A_324, %mul3A_328 : i32
      %swap3A_330 = arith.index_cast %mul3A_329 : i32 to index
      %swap3A_331 = tpu.vector_load %arg5[%swap3A_330] {strides = array<i32>} : memref<1024xf32, #tpu.memory_space<vmem>>, vector<16xf32>,
      tpu.vector_store %arg5[%swap3A_330], %broadcast_in_dim3A_327 {strides = array<i32>} : memref<1024xf32, #tpu.memory_space<vmem>>, vector<16xf32>,
      %scan3A_332 = arith.constant 0 : i32
      scf.yield %scan3A_332 : i32
    }
    %scan3A_112 = arith.constant 64 : i32
    %scan3A_113 = arith.constant 0 : i32
    %scan3A_114 = arith.constant 0 : i32
    %scan3A_115 = arith.constant 2048 : i32
    %scan3A_116 = arith.addi %scan3A_114, %scan3A_115 : i32
    %scan3A_117 = arith.constant 1 : i32
    %scan3A_118 = scf.for %scan3A_324 = %scan3A_114 to %scan3A_116 step %scan3A_117 iter_args(%scan3A_325 = %scan3A_113) -> (i32)  : i32 {
      %mul3A_326 = arith.constant 16 : i32
      %mul3A_327 = arith.muli %scan3A_324, %mul3A_326 : i32
      %get3A_328 = arith.index_cast %mul3A_327 : i32 to index
      %get3A_329 = tpu.vector_load %arg4[%get3A_328] {strides = array<i32>} : memref<32768xf32, #tpu.memory_space<vmem>>, vector<16xf32>,
      %sub3A_330 = arith.subf %get3A_329, %broadcast_in_dim3A_103 : vector<16xf32>
      %mul3A_331 = arith.mulf %sub3A_330, %div3A_102 : vector<16xf32>
      %jit3A = arith.constant 0.000000e+00 : f32
      %jit3A_332 = arith.constant 6.300000e+01 : f32
      %max3A_333 = vector.broadcast %jit3A : f32 to vector<16xf32>
      %max3A_334 = arith.maximumf %max3A_333, %mul3A_331 : vector<16xf32>
      %min3A = vector.broadcast %jit3A_332 : f32 to vector<16xf32>
      %min3A_335 = arith.minimumf %min3A, %max3A_334 : vector<16xf32>
      %convert_element_type3A = arith.fptosi %min3A_335 : vector<16xf32> to vector<16xi32>
      %mul3A_336 = arith.constant 16 : i32
      %mul3A_337 = vector.broadcast %mul3A_336 : i32 to vector<16xi32>
      %mul3A_338 = arith.muli %convert_element_type3A, %mul3A_337 : vector<16xi32>
      %add3A_339 = arith.addi %mul3A_338, %iota3A : vector<16xi32>
      tpu.vector_store_idx %arg5[%add3A_339], %broadcast_in_dim3A_3 {add = true} : memref<1024xf32, #tpu.memory_space<vmem>>[vector<16xi32>], vector<16xf32>,
      %scan3A_340 = arith.constant 0 : i32
      scf.yield %scan3A_340 : i32
    }
    %scan3A_119 = arith.constant 2048 : i32
    %scan3A_120 = arith.constant 0.000000e+00 : f32
    %scan3A_121 = arith.constant 0 : i32
    %scan3A_122 = arith.constant 64 : i32
    %scan3A_123 = arith.addi %scan3A_121, %scan3A_122 : i32
    %scan3A_124 = arith.constant 1 : i32
    %scan3A_125:2 = scf.for %scan3A_324 = %scan3A_121 to %scan3A_123 step %scan3A_124 iter_args(%scan3A_325 = %scan3A_120, %scan3A_326 = %reduce_min3A_91) -> (f32, f32)  : i32 {
      %sub3A_327 = arith.constant 63 : i32
      %sub3A_328 = arith.subi %sub3A_327, %scan3A_324 : i32
      %mul3A_329 = arith.constant 16 : i32
      %mul3A_330 = arith.muli %sub3A_328, %mul3A_329 : i32
      %get3A_331 = arith.index_cast %mul3A_330 : i32 to index
      %get3A_332 = tpu.vector_load %arg5[%get3A_331] {strides = array<i32>} : memref<1024xf32, #tpu.memory_space<vmem>>, vector<16xf32>,
      %reduce_sum3A = arith.constant true
      %reduce_sum3A_333 = vector.broadcast %reduce_sum3A : i1 to vector<16xi1>
      %reduce_sum3A_334 = tpu.scan <sum>, %get3A_332 masked %reduce_sum3A_333 : vector<16xf32>, vector<16xi1> -> vector<16xf32>
      %reduce_sum3A_335 = vector.extract %reduce_sum3A_334[15] : f32 from vector<16xf32>
      %add3A_336 = arith.addf %scan3A_325, %reduce_sum3A_335 : f32
      %lt3A = arith.constant 6.400000e+01 : f32
      %lt3A_337 = arith.cmpf olt, %scan3A_325, %lt3A : f32
      %ge3A = arith.constant 6.400000e+01 : f32
      %ge3A_338 = arith.cmpf oge, %add3A_336, %ge3A : f32
      %and3A = arith.andi %lt3A_337, %ge3A_338 : i1
      %convert_element_type3A = arith.sitofp %sub3A_328 : i32 to f32
      %mul3A_339 = arith.mulf %convert_element_type3A, %mul3A_105 : f32
      %add3A_340 = arith.addf %reduce_min3A_91, %mul3A_339 : f32
      %select_n3A = arith.select %and3A, %add3A_340, %scan3A_326 : f32
      scf.yield %add3A_336, %select_n3A : f32, f32
    }
    %scan3A_126 = arith.constant 64 : i32
    %broadcast_in_dim3A_127 = vector.broadcast %scan3A_125#1 : f32 to vector<16xf32>
    %swap3A_128 = arith.constant 1 : i32
    %swap3A_129 = arith.index_cast %swap3A_128 : i32 to index
    %swap3A_130 = arith.constant 0 : index
    %swap3A_131 = tpu.vector_load %arg6[%swap3A_129, %swap3A_130] {strides = array<i32>} : memref<4x128xf32, #tpu.memory_space<vmem>>, vector<16xf32>,
    tpu.vector_store %arg6[%swap3A_129, %swap3A_130], %broadcast_in_dim3A_127 {strides = array<i32>} : memref<4x128xf32, #tpu.memory_space<vmem>>, vector<16xf32>,
    %swap3A_132 = arith.constant 1 : i32
    %swap3A_133 = arith.index_cast %swap3A_132 : i32 to index
    %swap3A_134 = arith.constant 16 : index
    %swap3A_135 = tpu.vector_load %arg6[%swap3A_133, %swap3A_134] {strides = array<i32>} : memref<4x128xf32, #tpu.memory_space<vmem>>, vector<16xf32>,
    tpu.vector_store %arg6[%swap3A_133, %swap3A_134], %broadcast_in_dim3A_127 {strides = array<i32>} : memref<4x128xf32, #tpu.memory_space<vmem>>, vector<16xf32>,
    %swap3A_136 = arith.constant 1 : i32
    %swap3A_137 = arith.index_cast %swap3A_136 : i32 to index
    %swap3A_138 = arith.constant 32 : index
    %swap3A_139 = tpu.vector_load %arg6[%swap3A_137, %swap3A_138] {strides = array<i32>} : memref<4x128xf32, #tpu.memory_space<vmem>>, vector<16xf32>,
    tpu.vector_store %arg6[%swap3A_137, %swap3A_138], %broadcast_in_dim3A_127 {strides = array<i32>} : memref<4x128xf32, #tpu.memory_space<vmem>>, vector<16xf32>,
    %swap3A_140 = arith.constant 1 : i32
    %swap3A_141 = arith.index_cast %swap3A_140 : i32 to index
    %swap3A_142 = arith.constant 48 : index
    %swap3A_143 = tpu.vector_load %arg6[%swap3A_141, %swap3A_142] {strides = array<i32>} : memref<4x128xf32, #tpu.memory_space<vmem>>, vector<16xf32>,
    tpu.vector_store %arg6[%swap3A_141, %swap3A_142], %broadcast_in_dim3A_127 {strides = array<i32>} : memref<4x128xf32, #tpu.memory_space<vmem>>, vector<16xf32>,
    %swap3A_144 = arith.constant 1 : i32
    %swap3A_145 = arith.index_cast %swap3A_144 : i32 to index
    %swap3A_146 = arith.constant 64 : index
    %swap3A_147 = tpu.vector_load %arg6[%swap3A_145, %swap3A_146] {strides = array<i32>} : memref<4x128xf32, #tpu.memory_space<vmem>>, vector<16xf32>,
    tpu.vector_store %arg6[%swap3A_145, %swap3A_146], %broadcast_in_dim3A_127 {strides = array<i32>} : memref<4x128xf32, #tpu.memory_space<vmem>>, vector<16xf32>,
    %swap3A_148 = arith.constant 1 : i32
    %swap3A_149 = arith.index_cast %swap3A_148 : i32 to index
    %swap3A_150 = arith.constant 80 : index
    %swap3A_151 = tpu.vector_load %arg6[%swap3A_149, %swap3A_150] {strides = array<i32>} : memref<4x128xf32, #tpu.memory_space<vmem>>, vector<16xf32>,
    tpu.vector_store %arg6[%swap3A_149, %swap3A_150], %broadcast_in_dim3A_127 {strides = array<i32>} : memref<4x128xf32, #tpu.memory_space<vmem>>, vector<16xf32>,
    %swap3A_152 = arith.constant 1 : i32
    %swap3A_153 = arith.index_cast %swap3A_152 : i32 to index
    %swap3A_154 = arith.constant 96 : index
    %swap3A_155 = tpu.vector_load %arg6[%swap3A_153, %swap3A_154] {strides = array<i32>} : memref<4x128xf32, #tpu.memory_space<vmem>>, vector<16xf32>,
    tpu.vector_store %arg6[%swap3A_153, %swap3A_154], %broadcast_in_dim3A_127 {strides = array<i32>} : memref<4x128xf32, #tpu.memory_space<vmem>>, vector<16xf32>,
    %swap3A_156 = arith.constant 1 : i32
    %swap3A_157 = arith.index_cast %swap3A_156 : i32 to index
    %swap3A_158 = arith.constant 112 : index
    %swap3A_159 = tpu.vector_load %arg6[%swap3A_157, %swap3A_158] {strides = array<i32>} : memref<4x128xf32, #tpu.memory_space<vmem>>, vector<16xf32>,
    tpu.vector_store %arg6[%swap3A_157, %swap3A_158], %broadcast_in_dim3A_127 {strides = array<i32>} : memref<4x128xf32, #tpu.memory_space<vmem>>, vector<16xf32>,
    %add3A_160 = arith.constant 2 : i32
    %add3A_161 = arith.addi %mul3A_2, %add3A_160 : i32
    "tpu.region"() ({
      %run_scoped3A = tpu.sem_alloc : memref<!tpu.dma_semaphore, #tpu.memory_space<semaphore_mem>>
      %dma_start3A = arith.constant 0 : i32
      %dma_start3A_324 = tpu.memref_slice %arg2[%add3A_161, %dma_start3A] : memref<128x32768xf32, #tpu.memory_space<hbm>> -> memref<1x32768xf32, #tpu.memory_space<hbm>>
      %dma_start3A_325 = tpu.memref_squeeze %dma_start3A_324 : memref<1x32768xf32, #tpu.memory_space<hbm>> -> memref<32768xf32, #tpu.memory_space<hbm>>
      %dma_start3A_326 = arith.constant 0 : i32
      %dma_start3A_327 = tpu.memref_slice %arg2[%add3A_161, %dma_start3A_326] : memref<128x32768xf32, #tpu.memory_space<hbm>> -> memref<1x32768xf32, #tpu.memory_space<hbm>>
      %dma_start3A_328 = tpu.memref_squeeze %dma_start3A_327 : memref<1x32768xf32, #tpu.memory_space<hbm>> -> memref<32768xf32, #tpu.memory_space<hbm>>
      tpu.enqueue_dma source(%dma_start3A_328 : memref<32768xf32, #tpu.memory_space<hbm>>) target(%arg4 : memref<32768xf32, #tpu.memory_space<vmem>>) target_semaphore(%run_scoped3A : memref<!tpu.dma_semaphore, #tpu.memory_space<semaphore_mem>>)
      %dma_wait3A = arith.constant 0 : i32
      %dma_wait3A_329 = tpu.memref_slice %arg2[%add3A_161, %dma_wait3A] : memref<128x32768xf32, #tpu.memory_space<hbm>> -> memref<1x32768xf32, #tpu.memory_space<hbm>>
      %dma_wait3A_330 = tpu.memref_squeeze %dma_wait3A_329 : memref<1x32768xf32, #tpu.memory_space<hbm>> -> memref<32768xf32, #tpu.memory_space<hbm>>
      %dma_wait3A_331 = arith.constant 0 : i32
      %dma_wait3A_332 = tpu.memref_slice %arg2[%add3A_161, %dma_wait3A_331] : memref<128x32768xf32, #tpu.memory_space<hbm>> -> memref<1x32768xf32, #tpu.memory_space<hbm>>
      %dma_wait3A_333 = tpu.memref_squeeze %dma_wait3A_332 : memref<1x32768xf32, #tpu.memory_space<hbm>> -> memref<32768xf32, #tpu.memory_space<hbm>>
      tpu.wait_dma2 semaphore(%run_scoped3A : memref<!tpu.dma_semaphore, #tpu.memory_space<semaphore_mem>>) src(%dma_wait3A_333 : memref<32768xf32, #tpu.memory_space<hbm>>) dst(%arg4 : memref<32768xf32, #tpu.memory_space<vmem>>)
      tpu.yield
    }) : () -> ()
    %get3A_162 = arith.constant 0 : index
    %get3A_163 = tpu.vector_load %arg4[%get3A_162] {strides = array<i32>} : memref<32768xf32, #tpu.memory_space<vmem>>, vector<16xf32>,
    %scan3A_164 = arith.constant 1 : i32
    %scan3A_165 = arith.constant 2047 : i32
    %scan3A_166 = arith.addi %scan3A_164, %scan3A_165 : i32
    %scan3A_167 = arith.constant 1 : i32
    %scan3A_168:2 = scf.for %scan3A_324 = %scan3A_164 to %scan3A_166 step %scan3A_167 iter_args(%scan3A_325 = %get3A_163, %scan3A_326 = %get3A_163) -> (vector<16xf32>, vector<16xf32>)  : i32 {
      %mul3A_327 = arith.constant 16 : i32
      %mul3A_328 = arith.muli %scan3A_324, %mul3A_327 : i32
      %get3A_329 = arith.index_cast %mul3A_328 : i32 to index
      %get3A_330 = tpu.vector_load %arg4[%get3A_329] {strides = array<i32>} : memref<32768xf32, #tpu.memory_space<vmem>>, vector<16xf32>,
      %min3A = arith.minimumf %scan3A_325, %get3A_330 : vector<16xf32>
      %max3A_331 = arith.maximumf %scan3A_326, %get3A_330 : vector<16xf32>
      scf.yield %min3A, %max3A_331 : vector<16xf32>, vector<16xf32>
    }
    %scan3A_169 = arith.constant 2047 : i32
    %reduce_min3A_170 = arith.constant true
    %reduce_min3A_171 = vector.broadcast %reduce_min3A_170 : i1 to vector<16xi1>
    %reduce_min3A_172 = tpu.scan <min>, %scan3A_168#0 masked %reduce_min3A_171 : vector<16xf32>, vector<16xi1> -> vector<16xf32>
    %reduce_min3A_173 = vector.extract %reduce_min3A_172[15] : f32 from vector<16xf32>
    %reduce_max3A_174 = arith.constant true
    %reduce_max3A_175 = vector.broadcast %reduce_max3A_174 : i1 to vector<16xi1>
    %reduce_max3A_176 = tpu.scan <max>, %scan3A_168#1 masked %reduce_max3A_175 : vector<16xf32>, vector<16xi1> -> vector<16xf32>
    %reduce_max3A_177 = vector.extract %reduce_max3A_176[15] : f32 from vector<16xf32>
    %sub3A_178 = arith.subf %reduce_max3A_177, %reduce_min3A_173 : f32
    %max3A_179 = arith.constant 1.000000e-30 : f32
    %max3A_180 = arith.maximumf %sub3A_178, %max3A_179 : f32
    %broadcast_in_dim3A_181 = vector.broadcast %max3A_180 : f32 to vector<16xf32>
    %div3A_182 = arith.constant 6.400000e+01 : f32
    %div3A_183 = vector.broadcast %div3A_182 : f32 to vector<16xf32>
    %div3A_184 = arith.divf %div3A_183, %broadcast_in_dim3A_181 : vector<16xf32>
    %broadcast_in_dim3A_185 = vector.broadcast %reduce_min3A_173 : f32 to vector<16xf32>
    %mul3A_186 = arith.constant 1.562500e-02 : f32
    %mul3A_187 = arith.mulf %max3A_180, %mul3A_186 : f32
    %scan3A_188 = arith.constant 0 : i32
    %scan3A_189 = arith.constant 0 : i32
    %scan3A_190 = arith.constant 64 : i32
    %scan3A_191 = arith.addi %scan3A_189, %scan3A_190 : i32
    %scan3A_192 = arith.constant 1 : i32
    %scan3A_193 = scf.for %scan3A_324 = %scan3A_189 to %scan3A_191 step %scan3A_192 iter_args(%scan3A_325 = %scan3A_188) -> (i32)  : i32 {
      %broadcast_in_dim3A_326 = arith.constant 0.000000e+00 : f32
      %broadcast_in_dim3A_327 = vector.broadcast %broadcast_in_dim3A_326 : f32 to vector<16xf32>
      %mul3A_328 = arith.constant 16 : i32
      %mul3A_329 = arith.muli %scan3A_324, %mul3A_328 : i32
      %swap3A_330 = arith.index_cast %mul3A_329 : i32 to index
      %swap3A_331 = tpu.vector_load %arg5[%swap3A_330] {strides = array<i32>} : memref<1024xf32, #tpu.memory_space<vmem>>, vector<16xf32>,
      tpu.vector_store %arg5[%swap3A_330], %broadcast_in_dim3A_327 {strides = array<i32>} : memref<1024xf32, #tpu.memory_space<vmem>>, vector<16xf32>,
      %scan3A_332 = arith.constant 0 : i32
      scf.yield %scan3A_332 : i32
    }
    %scan3A_194 = arith.constant 64 : i32
    %scan3A_195 = arith.constant 0 : i32
    %scan3A_196 = arith.constant 0 : i32
    %scan3A_197 = arith.constant 2048 : i32
    %scan3A_198 = arith.addi %scan3A_196, %scan3A_197 : i32
    %scan3A_199 = arith.constant 1 : i32
    %scan3A_200 = scf.for %scan3A_324 = %scan3A_196 to %scan3A_198 step %scan3A_199 iter_args(%scan3A_325 = %scan3A_195) -> (i32)  : i32 {
      %mul3A_326 = arith.constant 16 : i32
      %mul3A_327 = arith.muli %scan3A_324, %mul3A_326 : i32
      %get3A_328 = arith.index_cast %mul3A_327 : i32 to index
      %get3A_329 = tpu.vector_load %arg4[%get3A_328] {strides = array<i32>} : memref<32768xf32, #tpu.memory_space<vmem>>, vector<16xf32>,
      %sub3A_330 = arith.subf %get3A_329, %broadcast_in_dim3A_185 : vector<16xf32>
      %mul3A_331 = arith.mulf %sub3A_330, %div3A_184 : vector<16xf32>
      %jit3A = arith.constant 0.000000e+00 : f32
      %jit3A_332 = arith.constant 6.300000e+01 : f32
      %max3A_333 = vector.broadcast %jit3A : f32 to vector<16xf32>
      %max3A_334 = arith.maximumf %max3A_333, %mul3A_331 : vector<16xf32>
      %min3A = vector.broadcast %jit3A_332 : f32 to vector<16xf32>
      %min3A_335 = arith.minimumf %min3A, %max3A_334 : vector<16xf32>
      %convert_element_type3A = arith.fptosi %min3A_335 : vector<16xf32> to vector<16xi32>
      %mul3A_336 = arith.constant 16 : i32
      %mul3A_337 = vector.broadcast %mul3A_336 : i32 to vector<16xi32>
      %mul3A_338 = arith.muli %convert_element_type3A, %mul3A_337 : vector<16xi32>
      %add3A_339 = arith.addi %mul3A_338, %iota3A : vector<16xi32>
      tpu.vector_store_idx %arg5[%add3A_339], %broadcast_in_dim3A_3 {add = true} : memref<1024xf32, #tpu.memory_space<vmem>>[vector<16xi32>], vector<16xf32>,
      %scan3A_340 = arith.constant 0 : i32
      scf.yield %scan3A_340 : i32
    }
    %scan3A_201 = arith.constant 2048 : i32
    %scan3A_202 = arith.constant 0.000000e+00 : f32
    %scan3A_203 = arith.constant 0 : i32
    %scan3A_204 = arith.constant 64 : i32
    %scan3A_205 = arith.addi %scan3A_203, %scan3A_204 : i32
    %scan3A_206 = arith.constant 1 : i32
    %scan3A_207:2 = scf.for %scan3A_324 = %scan3A_203 to %scan3A_205 step %scan3A_206 iter_args(%scan3A_325 = %scan3A_202, %scan3A_326 = %reduce_min3A_173) -> (f32, f32)  : i32 {
      %sub3A_327 = arith.constant 63 : i32
      %sub3A_328 = arith.subi %sub3A_327, %scan3A_324 : i32
      %mul3A_329 = arith.constant 16 : i32
      %mul3A_330 = arith.muli %sub3A_328, %mul3A_329 : i32
      %get3A_331 = arith.index_cast %mul3A_330 : i32 to index
      %get3A_332 = tpu.vector_load %arg5[%get3A_331] {strides = array<i32>} : memref<1024xf32, #tpu.memory_space<vmem>>, vector<16xf32>,
      %reduce_sum3A = arith.constant true
      %reduce_sum3A_333 = vector.broadcast %reduce_sum3A : i1 to vector<16xi1>
      %reduce_sum3A_334 = tpu.scan <sum>, %get3A_332 masked %reduce_sum3A_333 : vector<16xf32>, vector<16xi1> -> vector<16xf32>
      %reduce_sum3A_335 = vector.extract %reduce_sum3A_334[15] : f32 from vector<16xf32>
      %add3A_336 = arith.addf %scan3A_325, %reduce_sum3A_335 : f32
      %lt3A = arith.constant 6.400000e+01 : f32
      %lt3A_337 = arith.cmpf olt, %scan3A_325, %lt3A : f32
      %ge3A = arith.constant 6.400000e+01 : f32
      %ge3A_338 = arith.cmpf oge, %add3A_336, %ge3A : f32
      %and3A = arith.andi %lt3A_337, %ge3A_338 : i1
      %convert_element_type3A = arith.sitofp %sub3A_328 : i32 to f32
      %mul3A_339 = arith.mulf %convert_element_type3A, %mul3A_187 : f32
      %add3A_340 = arith.addf %reduce_min3A_173, %mul3A_339 : f32
      %select_n3A = arith.select %and3A, %add3A_340, %scan3A_326 : f32
      scf.yield %add3A_336, %select_n3A : f32, f32
    }
    %scan3A_208 = arith.constant 64 : i32
    %broadcast_in_dim3A_209 = vector.broadcast %scan3A_207#1 : f32 to vector<16xf32>
    %swap3A_210 = arith.constant 2 : i32
    %swap3A_211 = arith.index_cast %swap3A_210 : i32 to index
    %swap3A_212 = arith.constant 0 : index
    %swap3A_213 = tpu.vector_load %arg6[%swap3A_211, %swap3A_212] {strides = array<i32>} : memref<4x128xf32, #tpu.memory_space<vmem>>, vector<16xf32>,
    tpu.vector_store %arg6[%swap3A_211, %swap3A_212], %broadcast_in_dim3A_209 {strides = array<i32>} : memref<4x128xf32, #tpu.memory_space<vmem>>, vector<16xf32>,
    %swap3A_214 = arith.constant 2 : i32
    %swap3A_215 = arith.index_cast %swap3A_214 : i32 to index
    %swap3A_216 = arith.constant 16 : index
    %swap3A_217 = tpu.vector_load %arg6[%swap3A_215, %swap3A_216] {strides = array<i32>} : memref<4x128xf32, #tpu.memory_space<vmem>>, vector<16xf32>,
    tpu.vector_store %arg6[%swap3A_215, %swap3A_216], %broadcast_in_dim3A_209 {strides = array<i32>} : memref<4x128xf32, #tpu.memory_space<vmem>>, vector<16xf32>,
    %swap3A_218 = arith.constant 2 : i32
    %swap3A_219 = arith.index_cast %swap3A_218 : i32 to index
    %swap3A_220 = arith.constant 32 : index
    %swap3A_221 = tpu.vector_load %arg6[%swap3A_219, %swap3A_220] {strides = array<i32>} : memref<4x128xf32, #tpu.memory_space<vmem>>, vector<16xf32>,
    tpu.vector_store %arg6[%swap3A_219, %swap3A_220], %broadcast_in_dim3A_209 {strides = array<i32>} : memref<4x128xf32, #tpu.memory_space<vmem>>, vector<16xf32>,
    %swap3A_222 = arith.constant 2 : i32
    %swap3A_223 = arith.index_cast %swap3A_222 : i32 to index
    %swap3A_224 = arith.constant 48 : index
    %swap3A_225 = tpu.vector_load %arg6[%swap3A_223, %swap3A_224] {strides = array<i32>} : memref<4x128xf32, #tpu.memory_space<vmem>>, vector<16xf32>,
    tpu.vector_store %arg6[%swap3A_223, %swap3A_224], %broadcast_in_dim3A_209 {strides = array<i32>} : memref<4x128xf32, #tpu.memory_space<vmem>>, vector<16xf32>,
    %swap3A_226 = arith.constant 2 : i32
    %swap3A_227 = arith.index_cast %swap3A_226 : i32 to index
    %swap3A_228 = arith.constant 64 : index
    %swap3A_229 = tpu.vector_load %arg6[%swap3A_227, %swap3A_228] {strides = array<i32>} : memref<4x128xf32, #tpu.memory_space<vmem>>, vector<16xf32>,
    tpu.vector_store %arg6[%swap3A_227, %swap3A_228], %broadcast_in_dim3A_209 {strides = array<i32>} : memref<4x128xf32, #tpu.memory_space<vmem>>, vector<16xf32>,
    %swap3A_230 = arith.constant 2 : i32
    %swap3A_231 = arith.index_cast %swap3A_230 : i32 to index
    %swap3A_232 = arith.constant 80 : index
    %swap3A_233 = tpu.vector_load %arg6[%swap3A_231, %swap3A_232] {strides = array<i32>} : memref<4x128xf32, #tpu.memory_space<vmem>>, vector<16xf32>,
    tpu.vector_store %arg6[%swap3A_231, %swap3A_232], %broadcast_in_dim3A_209 {strides = array<i32>} : memref<4x128xf32, #tpu.memory_space<vmem>>, vector<16xf32>,
    %swap3A_234 = arith.constant 2 : i32
    %swap3A_235 = arith.index_cast %swap3A_234 : i32 to index
    %swap3A_236 = arith.constant 96 : index
    %swap3A_237 = tpu.vector_load %arg6[%swap3A_235, %swap3A_236] {strides = array<i32>} : memref<4x128xf32, #tpu.memory_space<vmem>>, vector<16xf32>,
    tpu.vector_store %arg6[%swap3A_235, %swap3A_236], %broadcast_in_dim3A_209 {strides = array<i32>} : memref<4x128xf32, #tpu.memory_space<vmem>>, vector<16xf32>,
    %swap3A_238 = arith.constant 2 : i32
    %swap3A_239 = arith.index_cast %swap3A_238 : i32 to index
    %swap3A_240 = arith.constant 112 : index
    %swap3A_241 = tpu.vector_load %arg6[%swap3A_239, %swap3A_240] {strides = array<i32>} : memref<4x128xf32, #tpu.memory_space<vmem>>, vector<16xf32>,
    tpu.vector_store %arg6[%swap3A_239, %swap3A_240], %broadcast_in_dim3A_209 {strides = array<i32>} : memref<4x128xf32, #tpu.memory_space<vmem>>, vector<16xf32>,
    %add3A_242 = arith.constant 3 : i32
    %add3A_243 = arith.addi %mul3A_2, %add3A_242 : i32
    "tpu.region"() ({
      %run_scoped3A = tpu.sem_alloc : memref<!tpu.dma_semaphore, #tpu.memory_space<semaphore_mem>>
      %dma_start3A = arith.constant 0 : i32
      %dma_start3A_324 = tpu.memref_slice %arg2[%add3A_243, %dma_start3A] : memref<128x32768xf32, #tpu.memory_space<hbm>> -> memref<1x32768xf32, #tpu.memory_space<hbm>>
      %dma_start3A_325 = tpu.memref_squeeze %dma_start3A_324 : memref<1x32768xf32, #tpu.memory_space<hbm>> -> memref<32768xf32, #tpu.memory_space<hbm>>
      %dma_start3A_326 = arith.constant 0 : i32
      %dma_start3A_327 = tpu.memref_slice %arg2[%add3A_243, %dma_start3A_326] : memref<128x32768xf32, #tpu.memory_space<hbm>> -> memref<1x32768xf32, #tpu.memory_space<hbm>>
      %dma_start3A_328 = tpu.memref_squeeze %dma_start3A_327 : memref<1x32768xf32, #tpu.memory_space<hbm>> -> memref<32768xf32, #tpu.memory_space<hbm>>
      tpu.enqueue_dma source(%dma_start3A_328 : memref<32768xf32, #tpu.memory_space<hbm>>) target(%arg4 : memref<32768xf32, #tpu.memory_space<vmem>>) target_semaphore(%run_scoped3A : memref<!tpu.dma_semaphore, #tpu.memory_space<semaphore_mem>>)
      %dma_wait3A = arith.constant 0 : i32
      %dma_wait3A_329 = tpu.memref_slice %arg2[%add3A_243, %dma_wait3A] : memref<128x32768xf32, #tpu.memory_space<hbm>> -> memref<1x32768xf32, #tpu.memory_space<hbm>>
      %dma_wait3A_330 = tpu.memref_squeeze %dma_wait3A_329 : memref<1x32768xf32, #tpu.memory_space<hbm>> -> memref<32768xf32, #tpu.memory_space<hbm>>
      %dma_wait3A_331 = arith.constant 0 : i32
      %dma_wait3A_332 = tpu.memref_slice %arg2[%add3A_243, %dma_wait3A_331] : memref<128x32768xf32, #tpu.memory_space<hbm>> -> memref<1x32768xf32, #tpu.memory_space<hbm>>
      %dma_wait3A_333 = tpu.memref_squeeze %dma_wait3A_332 : memref<1x32768xf32, #tpu.memory_space<hbm>> -> memref<32768xf32, #tpu.memory_space<hbm>>
      tpu.wait_dma2 semaphore(%run_scoped3A : memref<!tpu.dma_semaphore, #tpu.memory_space<semaphore_mem>>) src(%dma_wait3A_333 : memref<32768xf32, #tpu.memory_space<hbm>>) dst(%arg4 : memref<32768xf32, #tpu.memory_space<vmem>>)
      tpu.yield
    }) : () -> ()
    %get3A_244 = arith.constant 0 : index
    %get3A_245 = tpu.vector_load %arg4[%get3A_244] {strides = array<i32>} : memref<32768xf32, #tpu.memory_space<vmem>>, vector<16xf32>,
    %scan3A_246 = arith.constant 1 : i32
    %scan3A_247 = arith.constant 2047 : i32
    %scan3A_248 = arith.addi %scan3A_246, %scan3A_247 : i32
    %scan3A_249 = arith.constant 1 : i32
    %scan3A_250:2 = scf.for %scan3A_324 = %scan3A_246 to %scan3A_248 step %scan3A_249 iter_args(%scan3A_325 = %get3A_245, %scan3A_326 = %get3A_245) -> (vector<16xf32>, vector<16xf32>)  : i32 {
      %mul3A_327 = arith.constant 16 : i32
      %mul3A_328 = arith.muli %scan3A_324, %mul3A_327 : i32
      %get3A_329 = arith.index_cast %mul3A_328 : i32 to index
      %get3A_330 = tpu.vector_load %arg4[%get3A_329] {strides = array<i32>} : memref<32768xf32, #tpu.memory_space<vmem>>, vector<16xf32>,
      %min3A = arith.minimumf %scan3A_325, %get3A_330 : vector<16xf32>
      %max3A_331 = arith.maximumf %scan3A_326, %get3A_330 : vector<16xf32>
      scf.yield %min3A, %max3A_331 : vector<16xf32>, vector<16xf32>
    }
    %scan3A_251 = arith.constant 2047 : i32
    %reduce_min3A_252 = arith.constant true
    %reduce_min3A_253 = vector.broadcast %reduce_min3A_252 : i1 to vector<16xi1>
    %reduce_min3A_254 = tpu.scan <min>, %scan3A_250#0 masked %reduce_min3A_253 : vector<16xf32>, vector<16xi1> -> vector<16xf32>
    %reduce_min3A_255 = vector.extract %reduce_min3A_254[15] : f32 from vector<16xf32>
    %reduce_max3A_256 = arith.constant true
    %reduce_max3A_257 = vector.broadcast %reduce_max3A_256 : i1 to vector<16xi1>
    %reduce_max3A_258 = tpu.scan <max>, %scan3A_250#1 masked %reduce_max3A_257 : vector<16xf32>, vector<16xi1> -> vector<16xf32>
    %reduce_max3A_259 = vector.extract %reduce_max3A_258[15] : f32 from vector<16xf32>
    %sub3A_260 = arith.subf %reduce_max3A_259, %reduce_min3A_255 : f32
    %max3A_261 = arith.constant 1.000000e-30 : f32
    %max3A_262 = arith.maximumf %sub3A_260, %max3A_261 : f32
    %broadcast_in_dim3A_263 = vector.broadcast %max3A_262 : f32 to vector<16xf32>
    %div3A_264 = arith.constant 6.400000e+01 : f32
    %div3A_265 = vector.broadcast %div3A_264 : f32 to vector<16xf32>
    %div3A_266 = arith.divf %div3A_265, %broadcast_in_dim3A_263 : vector<16xf32>
    %broadcast_in_dim3A_267 = vector.broadcast %reduce_min3A_255 : f32 to vector<16xf32>
    %mul3A_268 = arith.constant 1.562500e-02 : f32
    %mul3A_269 = arith.mulf %max3A_262, %mul3A_268 : f32
    %scan3A_270 = arith.constant 0 : i32
    %scan3A_271 = arith.constant 0 : i32
    %scan3A_272 = arith.constant 64 : i32
    %scan3A_273 = arith.addi %scan3A_271, %scan3A_272 : i32
    %scan3A_274 = arith.constant 1 : i32
    %scan3A_275 = scf.for %scan3A_324 = %scan3A_271 to %scan3A_273 step %scan3A_274 iter_args(%scan3A_325 = %scan3A_270) -> (i32)  : i32 {
      %broadcast_in_dim3A_326 = arith.constant 0.000000e+00 : f32
      %broadcast_in_dim3A_327 = vector.broadcast %broadcast_in_dim3A_326 : f32 to vector<16xf32>
      %mul3A_328 = arith.constant 16 : i32
      %mul3A_329 = arith.muli %scan3A_324, %mul3A_328 : i32
      %swap3A_330 = arith.index_cast %mul3A_329 : i32 to index
      %swap3A_331 = tpu.vector_load %arg5[%swap3A_330] {strides = array<i32>} : memref<1024xf32, #tpu.memory_space<vmem>>, vector<16xf32>,
      tpu.vector_store %arg5[%swap3A_330], %broadcast_in_dim3A_327 {strides = array<i32>} : memref<1024xf32, #tpu.memory_space<vmem>>, vector<16xf32>,
      %scan3A_332 = arith.constant 0 : i32
      scf.yield %scan3A_332 : i32
    }
    %scan3A_276 = arith.constant 64 : i32
    %scan3A_277 = arith.constant 0 : i32
    %scan3A_278 = arith.constant 0 : i32
    %scan3A_279 = arith.constant 2048 : i32
    %scan3A_280 = arith.addi %scan3A_278, %scan3A_279 : i32
    %scan3A_281 = arith.constant 1 : i32
    %scan3A_282 = scf.for %scan3A_324 = %scan3A_278 to %scan3A_280 step %scan3A_281 iter_args(%scan3A_325 = %scan3A_277) -> (i32)  : i32 {
      %mul3A_326 = arith.constant 16 : i32
      %mul3A_327 = arith.muli %scan3A_324, %mul3A_326 : i32
      %get3A_328 = arith.index_cast %mul3A_327 : i32 to index
      %get3A_329 = tpu.vector_load %arg4[%get3A_328] {strides = array<i32>} : memref<32768xf32, #tpu.memory_space<vmem>>, vector<16xf32>,
      %sub3A_330 = arith.subf %get3A_329, %broadcast_in_dim3A_267 : vector<16xf32>
      %mul3A_331 = arith.mulf %sub3A_330, %div3A_266 : vector<16xf32>
      %jit3A = arith.constant 0.000000e+00 : f32
      %jit3A_332 = arith.constant 6.300000e+01 : f32
      %max3A_333 = vector.broadcast %jit3A : f32 to vector<16xf32>
      %max3A_334 = arith.maximumf %max3A_333, %mul3A_331 : vector<16xf32>
      %min3A = vector.broadcast %jit3A_332 : f32 to vector<16xf32>
      %min3A_335 = arith.minimumf %min3A, %max3A_334 : vector<16xf32>
      %convert_element_type3A = arith.fptosi %min3A_335 : vector<16xf32> to vector<16xi32>
      %mul3A_336 = arith.constant 16 : i32
      %mul3A_337 = vector.broadcast %mul3A_336 : i32 to vector<16xi32>
      %mul3A_338 = arith.muli %convert_element_type3A, %mul3A_337 : vector<16xi32>
      %add3A_339 = arith.addi %mul3A_338, %iota3A : vector<16xi32>
      tpu.vector_store_idx %arg5[%add3A_339], %broadcast_in_dim3A_3 {add = true} : memref<1024xf32, #tpu.memory_space<vmem>>[vector<16xi32>], vector<16xf32>,
      %scan3A_340 = arith.constant 0 : i32
      scf.yield %scan3A_340 : i32
    }
    %scan3A_283 = arith.constant 2048 : i32
    %scan3A_284 = arith.constant 0.000000e+00 : f32
    %scan3A_285 = arith.constant 0 : i32
    %scan3A_286 = arith.constant 64 : i32
    %scan3A_287 = arith.addi %scan3A_285, %scan3A_286 : i32
    %scan3A_288 = arith.constant 1 : i32
    %scan3A_289:2 = scf.for %scan3A_324 = %scan3A_285 to %scan3A_287 step %scan3A_288 iter_args(%scan3A_325 = %scan3A_284, %scan3A_326 = %reduce_min3A_255) -> (f32, f32)  : i32 {
      %sub3A_327 = arith.constant 63 : i32
      %sub3A_328 = arith.subi %sub3A_327, %scan3A_324 : i32
      %mul3A_329 = arith.constant 16 : i32
      %mul3A_330 = arith.muli %sub3A_328, %mul3A_329 : i32
      %get3A_331 = arith.index_cast %mul3A_330 : i32 to index
      %get3A_332 = tpu.vector_load %arg5[%get3A_331] {strides = array<i32>} : memref<1024xf32, #tpu.memory_space<vmem>>, vector<16xf32>,
      %reduce_sum3A = arith.constant true
      %reduce_sum3A_333 = vector.broadcast %reduce_sum3A : i1 to vector<16xi1>
      %reduce_sum3A_334 = tpu.scan <sum>, %get3A_332 masked %reduce_sum3A_333 : vector<16xf32>, vector<16xi1> -> vector<16xf32>
      %reduce_sum3A_335 = vector.extract %reduce_sum3A_334[15] : f32 from vector<16xf32>
      %add3A_336 = arith.addf %scan3A_325, %reduce_sum3A_335 : f32
      %lt3A = arith.constant 6.400000e+01 : f32
      %lt3A_337 = arith.cmpf olt, %scan3A_325, %lt3A : f32
      %ge3A = arith.constant 6.400000e+01 : f32
      %ge3A_338 = arith.cmpf oge, %add3A_336, %ge3A : f32
      %and3A = arith.andi %lt3A_337, %ge3A_338 : i1
      %convert_element_type3A = arith.sitofp %sub3A_328 : i32 to f32
      %mul3A_339 = arith.mulf %convert_element_type3A, %mul3A_269 : f32
      %add3A_340 = arith.addf %reduce_min3A_255, %mul3A_339 : f32
      %select_n3A = arith.select %and3A, %add3A_340, %scan3A_326 : f32
      scf.yield %add3A_336, %select_n3A : f32, f32
    }
    %scan3A_290 = arith.constant 64 : i32
    %broadcast_in_dim3A_291 = vector.broadcast %scan3A_289#1 : f32 to vector<16xf32>
    %swap3A_292 = arith.constant 3 : i32
    %swap3A_293 = arith.index_cast %swap3A_292 : i32 to index
    %swap3A_294 = arith.constant 0 : index
    %swap3A_295 = tpu.vector_load %arg6[%swap3A_293, %swap3A_294] {strides = array<i32>} : memref<4x128xf32, #tpu.memory_space<vmem>>, vector<16xf32>,
    tpu.vector_store %arg6[%swap3A_293, %swap3A_294], %broadcast_in_dim3A_291 {strides = array<i32>} : memref<4x128xf32, #tpu.memory_space<vmem>>, vector<16xf32>,
    %swap3A_296 = arith.constant 3 : i32
    %swap3A_297 = arith.index_cast %swap3A_296 : i32 to index
    %swap3A_298 = arith.constant 16 : index
    %swap3A_299 = tpu.vector_load %arg6[%swap3A_297, %swap3A_298] {strides = array<i32>} : memref<4x128xf32, #tpu.memory_space<vmem>>, vector<16xf32>,
    tpu.vector_store %arg6[%swap3A_297, %swap3A_298], %broadcast_in_dim3A_291 {strides = array<i32>} : memref<4x128xf32, #tpu.memory_space<vmem>>, vector<16xf32>,
    %swap3A_300 = arith.constant 3 : i32
    %swap3A_301 = arith.index_cast %swap3A_300 : i32 to index
    %swap3A_302 = arith.constant 32 : index
    %swap3A_303 = tpu.vector_load %arg6[%swap3A_301, %swap3A_302] {strides = array<i32>} : memref<4x128xf32, #tpu.memory_space<vmem>>, vector<16xf32>,
    tpu.vector_store %arg6[%swap3A_301, %swap3A_302], %broadcast_in_dim3A_291 {strides = array<i32>} : memref<4x128xf32, #tpu.memory_space<vmem>>, vector<16xf32>,
    %swap3A_304 = arith.constant 3 : i32
    %swap3A_305 = arith.index_cast %swap3A_304 : i32 to index
    %swap3A_306 = arith.constant 48 : index
    %swap3A_307 = tpu.vector_load %arg6[%swap3A_305, %swap3A_306] {strides = array<i32>} : memref<4x128xf32, #tpu.memory_space<vmem>>, vector<16xf32>,
    tpu.vector_store %arg6[%swap3A_305, %swap3A_306], %broadcast_in_dim3A_291 {strides = array<i32>} : memref<4x128xf32, #tpu.memory_space<vmem>>, vector<16xf32>,
    %swap3A_308 = arith.constant 3 : i32
    %swap3A_309 = arith.index_cast %swap3A_308 : i32 to index
    %swap3A_310 = arith.constant 64 : index
    %swap3A_311 = tpu.vector_load %arg6[%swap3A_309, %swap3A_310] {strides = array<i32>} : memref<4x128xf32, #tpu.memory_space<vmem>>, vector<16xf32>,
    tpu.vector_store %arg6[%swap3A_309, %swap3A_310], %broadcast_in_dim3A_291 {strides = array<i32>} : memref<4x128xf32, #tpu.memory_space<vmem>>, vector<16xf32>,
    %swap3A_312 = arith.constant 3 : i32
    %swap3A_313 = arith.index_cast %swap3A_312 : i32 to index
    %swap3A_314 = arith.constant 80 : index
    %swap3A_315 = tpu.vector_load %arg6[%swap3A_313, %swap3A_314] {strides = array<i32>} : memref<4x128xf32, #tpu.memory_space<vmem>>, vector<16xf32>,
    tpu.vector_store %arg6[%swap3A_313, %swap3A_314], %broadcast_in_dim3A_291 {strides = array<i32>} : memref<4x128xf32, #tpu.memory_space<vmem>>, vector<16xf32>,
    %swap3A_316 = arith.constant 3 : i32
    %swap3A_317 = arith.index_cast %swap3A_316 : i32 to index
    %swap3A_318 = arith.constant 96 : index
    %swap3A_319 = tpu.vector_load %arg6[%swap3A_317, %swap3A_318] {strides = array<i32>} : memref<4x128xf32, #tpu.memory_space<vmem>>, vector<16xf32>,
    tpu.vector_store %arg6[%swap3A_317, %swap3A_318], %broadcast_in_dim3A_291 {strides = array<i32>} : memref<4x128xf32, #tpu.memory_space<vmem>>, vector<16xf32>,
    %swap3A_320 = arith.constant 3 : i32
    %swap3A_321 = arith.index_cast %swap3A_320 : i32 to index
    %swap3A_322 = arith.constant 112 : index
    %swap3A_323 = tpu.vector_load %arg6[%swap3A_321, %swap3A_322] {strides = array<i32>} : memref<4x128xf32, #tpu.memory_space<vmem>>, vector<16xf32>,
    tpu.vector_store %arg6[%swap3A_321, %swap3A_322], %broadcast_in_dim3A_291 {strides = array<i32>} : memref<4x128xf32, #tpu.memory_space<vmem>>, vector<16xf32>,
    "tpu.region"() ({
      %run_scoped3A = tpu.sem_alloc : memref<!tpu.dma_semaphore, #tpu.memory_space<semaphore_mem>>
      %dma_start3A = arith.constant 0 : i32
      %dma_start3A_324 = tpu.memref_slice %arg3[%mul3A_2, %dma_start3A] : memref<128x128xf32, #tpu.memory_space<hbm>> -> memref<4x128xf32, #tpu.memory_space<hbm>>
      %dma_start3A_325 = arith.constant 0 : i32
      %dma_start3A_326 = tpu.memref_slice %arg3[%mul3A_2, %dma_start3A_325] : memref<128x128xf32, #tpu.memory_space<hbm>> -> memref<4x128xf32, #tpu.memory_space<hbm>>
      tpu.enqueue_dma source(%arg6 : memref<4x128xf32, #tpu.memory_space<vmem>>) target(%dma_start3A_326 : memref<4x128xf32, #tpu.memory_space<hbm>>) target_semaphore(%run_scoped3A : memref<!tpu.dma_semaphore, #tpu.memory_space<semaphore_mem>>)
      %dma_wait3A = arith.constant 0 : i32
      %dma_wait3A_327 = tpu.memref_slice %arg3[%mul3A_2, %dma_wait3A] : memref<128x128xf32, #tpu.memory_space<hbm>> -> memref<4x128xf32, #tpu.memory_space<hbm>>
      %dma_wait3A_328 = arith.constant 0 : i32
      %dma_wait3A_329 = tpu.memref_slice %arg3[%mul3A_2, %dma_wait3A_328] : memref<128x128xf32, #tpu.memory_space<hbm>> -> memref<4x128xf32, #tpu.memory_space<hbm>>
      tpu.wait_dma2 semaphore(%run_scoped3A : memref<!tpu.dma_semaphore, #tpu.memory_space<semaphore_mem>>) src(%arg6 : memref<4x128xf32, #tpu.memory_space<vmem>>) dst(%dma_wait3A_329 : memref<4x128xf32, #tpu.memory_space<hbm>>)
      tpu.yield
    }) : () -> ()
    return
  }
}

module attributes {stable_mosaic.version = 14 : i64} {
  func.func @_gate_kernel(%arg0: i32, %arg1: memref<1x1xf32, #tpu.memory_space<vmem>>, %arg2: memref<32x32768xf32, #tpu.memory_space<vmem>>, %arg3: memref<32x128xf32, #tpu.memory_space<vmem>>, %arg4: memref<32x32768xf32, #tpu.memory_space<vmem>>) attributes {dimension_semantics = [#tpu.dimension_semantics<parallel>], iteration_bounds = array<i64: 4>, scalar_prefetch = 0 : i64, scratch_operands = 0 : i64, tpu.core_type = #tpu.core_type<tc>, window_params = [{pipeline_mode = #tpu.pipeline_mode<synchronous>, transform_indices = @transform_0, window_bounds = array<i64: 1, 1>}, {transform_indices = @transform_1, window_bounds = array<i64: 32, 32768>}, {transform_indices = @transform_2, window_bounds = array<i64: 32, 128>}, {transform_indices = @transform_3, window_bounds = array<i64: 32, 32768>}]} {
    %get3A = arith.constant 0 : index
    %get3A_0 = arith.constant 0 : index
    %get3A_1 = vector.load %arg2[%get3A, %get3A_0] : memref<32x32768xf32, #tpu.memory_space<vmem>>, vector<32x32768xf32>
    %get3A_2 = arith.constant 0 : index
    %get3A_3 = arith.constant 0 : index
    %get3A_4 = vector.load %arg1[%get3A_2, %get3A_3] : memref<1x1xf32, #tpu.memory_space<vmem>>, vector<1x1xf32>
    %get3A_5 = vector.extract %get3A_4[0, 0] : f32 from vector<1x1xf32>
    %get3A_6 = arith.constant 0 : index
    %get3A_7 = arith.constant 0 : index
    %get3A_8 = vector.load %arg3[%get3A_6, %get3A_7] : memref<32x128xf32, #tpu.memory_space<vmem>>, vector<32x128xf32>
    %slice3A = vector.extract_strided_slice %get3A_8 {offsets = [0, 0], sizes = [32, 1], strides = [1, 1]} : vector<32x128xf32> to vector<32x1xf32>
    %scan3A = arith.constant 2.000000e+00 : f32
    %scan3A_9 = arith.constant 0 : i32
    %scan3A_10 = arith.constant 8 : i32
    %scan3A_11 = arith.addi %scan3A_9, %scan3A_10 : i32
    %scan3A_12 = arith.constant 1 : i32
    %scan3A_13 = scf.for %scan3A_26 = %scan3A_9 to %scan3A_11 step %scan3A_12 iter_args(%scan3A_27 = %slice3A) -> (vector<32x1xf32>)  : i32 {
      %sub3A_28 = vector.broadcast %scan3A_27 : vector<32x1xf32> to vector<32x32768xf32>
      %sub3A_29 = arith.subf %sub3A_28, %get3A_1 : vector<32x32768xf32>
      %mul3A_30 = arith.constant 2.885390e+00 : f32
      %mul3A_31 = vector.broadcast %mul3A_30 : f32 to vector<32x32768xf32>
      %mul3A_32 = arith.mulf %sub3A_29, %mul3A_31 : vector<32x32768xf32>
      %exp23A_33 = math.exp2 %mul3A_32 : vector<32x32768xf32>
      %add3A_34 = arith.constant 1.000000e+00 : f32
      %add3A_35 = vector.broadcast %add3A_34 : f32 to vector<32x32768xf32>
      %add3A_36 = arith.addf %add3A_35, %exp23A_33 : vector<32x32768xf32>
      %div3A_37 = arith.constant 1.000000e+00 : f32
      %div3A_38 = vector.broadcast %div3A_37 : f32 to vector<32x32768xf32>
      %div3A_39 = arith.divf %div3A_38, %add3A_36 : vector<32x32768xf32>
      %reduce_sum3A = arith.constant dense<0.000000e+00> : vector<32xf32>
      %reduce_sum3A_40 = vector.multi_reduction <add>, %div3A_39, %reduce_sum3A [1] : vector<32x32768xf32> to vector<32xf32>
      %broadcast_in_dim3A = vector.shape_cast %reduce_sum3A_40 : vector<32xf32> to vector<32x1xf32>
      %mul3A_41 = arith.mulf %div3A_39, %div3A_39 : vector<32x32768xf32>
      %reduce_sum3A_42 = arith.constant dense<0.000000e+00> : vector<32xf32>
      %reduce_sum3A_43 = vector.multi_reduction <add>, %mul3A_41, %reduce_sum3A_42 [1] : vector<32x32768xf32> to vector<32xf32>
      %broadcast_in_dim3A_44 = vector.shape_cast %reduce_sum3A_43 : vector<32xf32> to vector<32x1xf32>
      %sub3A_45 = vector.broadcast %get3A_5 : f32 to vector<32x1xf32>
      %sub3A_46 = arith.subf %broadcast_in_dim3A, %sub3A_45 : vector<32x1xf32>
      %sub3A_47 = arith.subf %broadcast_in_dim3A_44, %broadcast_in_dim3A : vector<32x1xf32>
      %mul3A_48 = vector.broadcast %scan3A : f32 to vector<32x1xf32>
      %mul3A_49 = arith.mulf %sub3A_47, %mul3A_48 : vector<32x1xf32>
      %add3A_50 = arith.constant 9.99999993E-9 : f32
      %add3A_51 = vector.broadcast %add3A_50 : f32 to vector<32x1xf32>
      %add3A_52 = arith.addf %mul3A_49, %add3A_51 : vector<32x1xf32>
      %div3A_53 = arith.divf %sub3A_46, %add3A_52 : vector<32x1xf32>
      %sub3A_54 = arith.subf %scan3A_27, %div3A_53 : vector<32x1xf32>
      scf.yield %sub3A_54 : vector<32x1xf32>
    }
    %sub3A = vector.broadcast %scan3A_13 : vector<32x1xf32> to vector<32x32768xf32>
    %sub3A_14 = arith.subf %sub3A, %get3A_1 : vector<32x32768xf32>
    %mul3A = arith.constant 2.885390e+00 : f32
    %mul3A_15 = vector.broadcast %mul3A : f32 to vector<32x32768xf32>
    %mul3A_16 = arith.mulf %sub3A_14, %mul3A_15 : vector<32x32768xf32>
    %exp23A = math.exp2 %mul3A_16 : vector<32x32768xf32>
    %add3A = arith.constant 1.000000e+00 : f32
    %add3A_17 = vector.broadcast %add3A : f32 to vector<32x32768xf32>
    %add3A_18 = arith.addf %add3A_17, %exp23A : vector<32x32768xf32>
    %div3A = arith.constant 1.000000e+00 : f32
    %div3A_19 = vector.broadcast %div3A : f32 to vector<32x32768xf32>
    %div3A_20 = arith.divf %div3A_19, %add3A_18 : vector<32x32768xf32>
    %jit3A = arith.constant 0.000000e+00 : f32
    %jit3A_21 = arith.constant 1.000000e+00 : f32
    %max3A = vector.broadcast %jit3A : f32 to vector<32x32768xf32>
    %max3A_22 = arith.maximumf %max3A, %div3A_20 : vector<32x32768xf32>
    %min3A = vector.broadcast %jit3A_21 : f32 to vector<32x32768xf32>
    %min3A_23 = arith.minimumf %min3A, %max3A_22 : vector<32x32768xf32>
    %swap3A = arith.constant 0 : index
    %swap3A_24 = arith.constant 0 : index
    %swap3A_25 = vector.load %arg4[%swap3A, %swap3A_24] : memref<32x32768xf32, #tpu.memory_space<vmem>>, vector<32x32768xf32>
    tpu.vector_store %arg4[%swap3A, %swap3A_24], %min3A_23 {strides = array<i32>} : memref<32x32768xf32, #tpu.memory_space<vmem>>, vector<32x32768xf32>,
    return
  }
  func.func @transform_0(%arg0: i32) -> (i32, i32) {
    %c0_i32 = arith.constant 0 : i32
    %c0_i32_0 = arith.constant 0 : i32
    %c0_i32_1 = arith.constant 0 : i32
    return %c0_i32, %c0_i32_0 : i32, i32
  }
  func.func @transform_1(%arg0: i32) -> (i32, i32) {
    %c0_i32 = arith.constant 0 : i32
    %c0_i32_0 = arith.constant 0 : i32
    return %arg0, %c0_i32 : i32, i32
  }
  func.func @transform_2(%arg0: i32) -> (i32, i32) {
    %c0_i32 = arith.constant 0 : i32
    %c0_i32_0 = arith.constant 0 : i32
    return %arg0, %c0_i32 : i32, i32
  }
  func.func @transform_3(%arg0: i32) -> (i32, i32) {
    %c0_i32 = arith.constant 0 : i32
    %c0_i32_0 = arith.constant 0 : i32
    return %arg0, %c0_i32 : i32, i32
  }
}

</mosaic_0001>

<sc_bundles>
// kernel: kernel.4.cloned.1.call-start
scs
__scs_entry_jumppad:
0x0: {  	(pc) =	sbr.rel $0x88, $3  }
0x1: {  	(tag) =	ssettag $0x0;
	lr =	simm.s32 $0x1  }
0x2: {  	[smem:$0x3F9F] =	sst lr;
	_ =	strace $0xD0000000  }
0x3: {  	_ = 	snop  }
0x4: {  	_ = 	snop  }
0x5: {  	_ = 	snop  }
0x6: {  	_ = 	snop  }
0x7: {  	_ = 	snop  }
__scs_overlays_trampoline_lowered:
0x8: {  	[smem:$0x3FAE] =	sst s0  }
0x9: {  	[smem:$0x3FAF] =	sst s1  }
0xa: {  	[smem:$0x3FB0] =	sst s2  }
0xb: {  	[smem:$0x3FB1] =	sst s3  }
0xc: {  	[smem:$0x3FB2] =	sst s4  }
0xd: {  	[smem:$0x3FB3] =	sst s5  }
0xe: {  	[smem:$0x3FB4] =	sst s6  }
0xf: {  	[smem:$0x3FB5] =	sst s7  }
0x10: {  	[smem:$0x3FB6] =	sst s8  }
0x11: {  	[smem:$0x3FB7] =	sst s9;
	s0 =	simm.s32 @!p0 $0x0  }
0x12: {  	s1 =	sld [smem:$0x3F9D];
	s0 =	simm.s32 @p0 $0x1  }
0x13: {  	[smem:$0x3FB8] =	sst s0;
	s0 =	simm.s32 @!p1 $0x0  }
0x14: {  	s2 =	sld [smem:$0x3F9C];
	s0 =	simm.s32 @p1 $0x1  }
0x15: {  	[smem:$0x3FB9] =	sst s0;
	s0 =	simm.s32 @!p2 $0x0  }
0x16: {  	s3 =	sld [smem:$0x3FDB];
	s0 =	simm.s32 @p2 $0x1  }
0x17: {  	s4 =	simm.s32 $0x1BF5;
	[smem:$0x3FBB] =	sst s0  }
0x18: {  	s0 =	sld [smem:$0x3F9E];
	_ =	swait.ge [sflag:s4], $0x0  }
0x19: {  	s7 =	sld [smem:$0x3F9F]  }
0x1a: {  	s8 =	sadd.s32 $0xFFFFE003, lr  }
0x1b: {  	s9 =	sadd.s32 $0xFFFFFEF7, lr;
	s5 =	simm.s32 $0xFFFFFFFF;
	p2 =	slt.u32 s8, $0xFFFFF086  }
0x1c: {  	p1 =	slt.u32 s9, $0xF7A;
	s5 =	simm.s32 @!p2 $0x0  }
0x1d: {  	s5 =	simm.s32 @p1 $0x1;
	p0 =	seq.s32 s7, s2  }
0x1e: {  	s7 =	smul.u32 @!p0 $0xF7A, s2;
	p2 =	seq.s32 @!p0 s5, $0x0  }
0x1f: {  	s9 =	smul.u32 $0xF7A, s1;
	s8 =	simm.s32 @!p0 $0x1BF5;
	p2 =	por !p2, p0  }
0x20: {  	[sflag:s8] =	ssyncset.s32 @!p0 $0xFFFFF086;
	s6 =	sadd.s32 @!p0 s3, s7;
	s7 =	simm.s32 @!p0 $0x108  }
0x21: {  	s3 =	sadd.s32 s3, s9;
	s6 =	sadd.s32 @!p0 $0x88, s6;
	s7 =	simm.s32 @p2 $0x1082  }
0x22: {  	[simem:s7], [sflag:s8] =	dma.local @!p0 [hbm:s6], $0xF7A  }
0x23: {  	s9 =	sor.u32 $0xD0000000, s2;
	s6 =	simm.s32 $0x108;
	_ =	swait.ge @!p0 [sflag:s8], $0x0  }
0x24: {  	s3 =	sadd.s32 $0x88, s3;
	s6 =	simm.s32 @!p1 $0x1082;
	[sflag:s4] =	ssyncset.s32 $0xFFFFF086  }
0x25: {  	[simem:s6], [sflag:s4] =	dma.local [hbm:s3], $0xF7A  }
0x26: {  	[smem:$0x3F9F] =	sst s1;
	(tag) =	ssettag s2;
	_ =	strace s9  }
0x27: {  	s1 =	sld [smem:$0x3FAF]  }
0x28: {  	s2 =	sld [smem:$0x3FB0]  }
0x29: {  	s4 =	sld [smem:$0x3FB2]  }
0x2a: {  	p0 =	seq.s32 s5, $0x0;
	s5 =	sld [smem:$0x3FB3]  }
0x2b: {  	s6 =	sld [smem:$0x3FB4]  }
0x2c: {  	s7 =	sld [smem:$0x3FB5]  }
0x2d: {  	s3 =	simm.s32 $0x108;
	s8 =	sld [smem:$0x3FB6]  }
0x2e: {  	s3 =	simm.s32 @!p0 $0x1082;
	s9 =	sld [smem:$0x3FB7]  }
0x2f: {  	lr =	sadd.s32 s0, s3;
	s0 =	sld [smem:$0x3FAE]  }
0x30: {  	s3 =	sld [smem:$0x3FB1]  }
0x31: {  	[smem:$0x3FBA] =	sst s10  }
0x32: {  	s10 =	sld [smem:$0x3FB8];
	_ =	sdelay $0x3  }
0x33: {  	p0 =	seq.s32 s10, $0x1;
	s10 =	sld [smem:$0x3FBA];
	_ =	sdelay $0x3  }
0x34: {  	[smem:$0x3FBA] =	sst s10  }
0x35: {  	s10 =	sld [smem:$0x3FB9];
	_ =	sdelay $0x3  }
0x36: {  	p1 =	seq.s32 s10, $0x1;
	s10 =	sld [smem:$0x3FBA];
	_ =	sdelay $0x3  }
0x37: {  	[smem:$0x3FBA] =	sst s10  }
0x38: {  	s10 =	sld [smem:$0x3FBB]  }
0x39: {  	_ = 	snop;
	(pc) =	sbr.ind lr, $3  }
0x3a: {  	_ = 	snop  }
0x3b: {  	_ = 	snop  }
0x3c: {  	p2 =	seq.s32 s10, $0x1;
	s10 =	sld [smem:$0x3FBA]  }
0x3d: {  	_ =	shalt  }
0x3e: {  	_ =	shalt  }
0x3f: {  	_ =	shalt  }
0x40: {  	_ =	shalt  }
0x41: {  	_ =	shalt  }
0x42: {  	_ =	shalt  }
0x43: {  	_ =	shalt  }
0x44: {  	_ =	shalt  }
0x45: {  	_ =	shalt  }
0x46: {  	_ =	shalt  }
0x47: {  	_ =	shalt  }
0x48: {  	_ =	shalt  }
0x49: {  	_ =	shalt  }
0x4a: {  	_ =	shalt  }
0x4b: {  	_ =	shalt  }
0x4c: {  	_ =	shalt  }
0x4d: {  	_ =	shalt  }
0x4e: {  	_ =	shalt  }
0x4f: {  	_ =	shalt  }
0x50: {  	_ =	shalt  }
0x51: {  	_ =	shalt  }
0x52: {  	_ =	shalt  }
0x53: {  	_ =	shalt  }
0x54: {  	_ =	shalt  }
0x55: {  	_ =	shalt  }
0x56: {  	_ =	shalt  }
0x57: {  	_ =	shalt  }
0x58: {  	_ =	shalt  }
0x59: {  	_ =	shalt  }
0x5a: {  	_ =	shalt  }
0x5b: {  	_ =	shalt  }
0x5c: {  	_ =	shalt  }
0x5d: {  	_ =	shalt  }
0x5e: {  	_ =	shalt  }
0x5f: {  	_ =	shalt  }
0x60: {  	_ =	shalt  }
0x61: {  	_ =	shalt  }
0x62: {  	_ =	shalt  }
0x63: {  	_ =	shalt  }
0x64: {  	_ =	shalt  }
0x65: {  	_ =	shalt  }
0x66: {  	_ =	shalt  }
0x67: {  	_ =	shalt  }
0x68: {  	_ =	shalt  }
0x69: {  	_ =	shalt  }
0x6a: {  	_ =	shalt  }
0x6b: {  	_ =	shalt  }
0x6c: {  	_ =	shalt  }
0x6d: {  	_ =	shalt  }
0x6e: {  	_ =	shalt  }
0x6f: {  	_ =	shalt  }
0x70: {  	_ =	shalt  }
0x71: {  	_ =	shalt  }
0x72: {  	_ =	shalt  }
0x73: {  	_ =	shalt  }
0x74: {  	_ =	shalt  }
0x75: {  	_ =	shalt  }
0x76: {  	_ =	shalt  }
0x77: {  	_ =	shalt  }
0x78: {  	_ =	shalt  }
0x79: {  	_ =	shalt  }
0x7a: {  	_ =	shalt  }
0x7b: {  	_ =	shalt  }
0x7c: {  	_ =	shalt  }
0x7d: {  	_ =	shalt  }
0x7e: {  	_ =	shalt  }
0x7f: {  	_ =	shalt  }
0x80: {  	_ =	shalt  }
0x81: {  	_ =	shalt  }
0x82: {  	_ =	shalt  }
0x83: {  	_ =	shalt  }
0x84: {  	_ =	shalt  }
0x85: {  	_ =	shalt  }
0x86: {  	_ =	shalt  }
0x87: {  	_ =	shalt  }
.Lfunc_end0:
.L_simem_size_0:
called_computation_lowered:
.L_overlay_start_0:
0x88: {  	s2 =	sld [smem:$0x3FD9]  }
0x89: {  	s3 =	sld [smem:$0x3FFE];
	_ =	sdelay $0x1  }
0x8a: {  	s1 =	srdreg.scid  }
0x8b: {  	s0 =	sand.u32 $0x1, s1  }
0x8c: {  	s18 =	sshll.u32 s0, $0xA;
	s2 =	sadd.s32 s3, s2  }
0x8d: {  	s2 =	sadd.s32 s2, s18  }
0x8e: {  	[smem:$0x3FC6] =	sst s2  }
0x8f: {  	_ = 	snop  }
0x90: {  	s2 =	sld [smem:$0x3FC9]  }
0x91: {  	s19 =	sld [smem:$0x3FD0];
	(tm) =	ssettm $0x1  }
0x92: {  	s4 =	sld [smem:$0x3FFB];
	_ =	sdelay $0x3  }
0x93: {  	_ =	strace s4  }
0x94: {  	s4 =	sld [smem:$0x3FFC];
	_ =	sdelay $0x3  }
0x95: {  	_ =	strace s4  }
0x96: {  	s4 =	sld [smem:$0x3FFD];
	_ =	sdelay $0x3  }
0x97: {  	_ =	strace s4  }
0x98: {  	_ =	strace $0x8FFFFFFF  }
0x99: {  	s20 =	sld [smem:$0x3FDB];
	_ =	sdelay $0x1  }
0x9a: {  	s5 =	simm.s32 $_scs_section_size  }
0x9b: {  	s6 =	simm.s32 $_size__tile_overlayer_lowered;
	s7 =	simm.s32 $_tile_overlayer_lowered  }
0x9c: {  	s23 =	simm.s32 $0x1BFF;
	s22 =	sshll.u32 s7, $0x1;
	s4 =	sadd.s32 s5, s20  }
0x9d: {  	s8 =	simm.s32 $0x0;
	s21 =	sshll.u32 s6, $0x1;
	s6 =	sadd.s32 s22, s4  }
0x9e: {  	[timem:s8], [sflag:s23] =	dma.local [hbm:s6], s21  }
0x9f: {  	_ =	swait.ge [sflag:s23], s21  }
0xa0: {  	s5 =	ssub.s32 $0x0, s21;
	[sflag:s23] =	ssyncset.done $0x0  }
0xa1: {  	[sflag:s23] =	ssyncadd.s32 s5;
	_ =	sdelay $0x1  }
0xa2: {  	s24 =	simm.s32 $0x1B8B  }
0xa3: {  	_ =	swait.ge [sflag:s24], $0x1  }
0xa4: {  	[sflag:s24] =	ssyncset.done $0x0  }
0xa5: {  	s25 =	simm.s32 $0x1B8E;
	[sflag:s24] =	ssyncadd.s32 $0xFFFFFFFF  }
0xa6: {  	s26 =	simm.s32 $execute0_lowered;
	[smem:$0x3FD2] =	sst s25  }
0xa7: {  	s5 =	sshll.u32 s26, $0x1;
	_ =	strace $0x80000046;
	[dreg:$0x1] =	wrdreg $0xFFFFFFFF  }
0xa8: {  	s28 =	simm.s32 $_size_execute0_lowered;
	s4 =	sadd.s32 s4, s5;
	[dreg:$0x0] =	wrdreg $0x0  }
0xa9: {  	s5 =	sshll.u32 s28, $0x1;
	[dreg:$0x2] =	wrdreg s4  }
0xaa: {  	[dreg:$0x3] =	wrdreg s5  }
0xab: {  	[dreg:$0x4] =	wrdreg $0xC0  }
0xac: {  	_ =	task [dreg:s8], $0x5FFFF  }
0xad: {  	[dreg:$0x1] =	wrdreg $0xFFFFFFFF  }
0xae: {  	[dreg:$0x0] =	wrdreg $0x60  }
0xaf: {  	[dreg:$0x2] =	wrdreg s2  }
0xb0: {  	[dreg:$0x3] =	wrdreg s19  }
0xb1: {  	[dreg:$0x4] =	wrdreg $0x9  }
0xb2: {  	_ =	task.clear_ibuf [dreg:s8], $0x5FFFF;
	_ =	strace $0x90000046  }
0xb3: {  	s29 =	simm.s32 $0x9;
	_ =	strace $0x80000048  }
0xb4: {  	_ =	swait.ge [sflag:s29], $0x1  }
0xb5: {  	[sflag:s29] =	ssyncadd.s32 $0xFFFFFFFF  }
0xb6: {  	_ =	strace $0x90000048  }
0xb7: {  	_ =	sfence  }
0xb8: {  	s30 =	sld [smem:$0x0];
	_ =	sdelay $0x2  }
0xb9: {  	s31 =	sshll.u32 s1, $0xD;
	s1 =	sshrl.u32 s1, $0x2  }
0xba: {  	s3 =	sand.u32 $0x4000, s31;
	s1 =	sadd.s32 s1, s30  }
0xbb: {  	s0 =	sor.u32 s3, s0;
	s1 =	sshll.u32 s1, $0x11  }
0xbc: {  	s0 =	sor.u32 s1, s0  }
0xbd: {  	s0 =	sadd.s32 $0x8F2B, s0  }
0xbe: {  	[sflag:s0] =	ssyncadd.remote.s32 $0x1  }
0xbf: {  	_ =	sfence.sel $0xFFFF  }
0xc0: {  	[dreg:$0x0] =	wrdreg $0xFFFFFFFF;
	(pc) =	sbr.abs _section_cstart, $3  }
0xc1: {  	[dreg:$0x1] =	wrdreg $0xFFFFFFFF  }
0xc2: {  	_ =	task.clear_ibuf [dreg:s8], $0x2FFFF;
	_ =	strace $0x9FFFFFFF  }
0xc3: {  	(tm) =	ssettm $0x7FFFFFFF  }
tec
execute0_lowered:
.L_overlay_start_1:
0x0: {  	(tag) =	ssettag $0x1  }
0x1: {  	s3 =	rddreg [dreg:$0x0]  }
0x2: {  	s7 =	rddreg [dreg:$0x1]  }
0x3: {  	s0 =	rddreg [dreg:$0x2];
	s4 =	srdreg.scid  }
0x4: {  	s2 =	simm.s32 $0x0;
	s1 =	stileid.u32;
	s10 =	simm.s32 $0x400  }
0x5: {  	s11 =	simm.s32 $0x1;
	s12 =	simm.s32 $0x8000;
	s13 =	simm.s32 $0x8400  }
0x6: {  	s14 =	simm.s32 $0x0;
	s4 =	sand.u32 $0x1, s4;
	[smem:$0x7FF] =	sst s2  }
0x7: {  	s5 =	sshll.u32 s1, $0x12;
	s9 =	sshll.u32 s1, $0xA;
	s6 =	sshll.u32 s4, $0x9  }
0x8: {  	_ =	strace $0x80000047;
	s4 =	ssub.s32 $0x2, s4;
	s5 =	sor.u32 s6, s5  }
0x9: {  	s8 =	sshrl.u32 s4, $0x1;
	s6 =	sor.u32 s6, s9;
	s5 =	sshrl.u32 s5, $0x3  }
0xa: {  	s8 =	ssub.s32 s4, s8;
	s9 =	sshrl.u32 s6, $0x3;
	s3 =	sadd.s32 s3, s5  }
0xb: {  	s7 =	sadd.s32 s7, s9;
	s8 =	smax.u32 s8, $0x1;
	s9 =	simm.s32 $0x80  }
0xc: {  	v0 =	vimm.f32 $0.0e+00;
	v1 =	vlaneseq.u32;
	v2 =	vimm.f32 $1.000000000e+00;
	s4 =	sadd.s32 $0x10, s3;
	s5 =	sadd.s32 $0x20, s3;
	s6 =	sadd.s32 $0x30, s3  }
.LBB2_1:
0xd: {  	[tilespmem:s2], [sflag:$0x1] =	stream.strided.gather [hbm4b:s3+s9], $0x8000, s10, s9, $0x38;
	[tilespmem:$0x8600] =	vst v63  }
0xe: {  	_ =	swait.ge [sflag:s11], $0x8000  }
0xf: {  	[sflag:s11] =	ssyncset.done $0x0  }
0x10: {  	[sflag:s11] =	ssyncadd.s32 $0xFFFF8000  }
0x11: {  	v3 =	vld [tilespmem:$0x0];
	_ =	sdelay $0x3  }
0x12: {  	s16 =	simm.s32 $0x10  }
0x13: {  	s15 =	simm.s32 $0x80;
	v5 =	vld [tilespmem:s16+$0x0];
	v4 =	vmov v3  }
.LBB2_2:
0x14: {  	p0 =	sne.s32 s15, $0x1FFC0  }
.Ltmp0:
0x15: {  	_ = 	snop;
	(pc) =	sbr.rel @p0 .LBB2_2-.Ltmp0, $3  }
0x16: {  	_ =	sdelay $0x1  }
0x17: {  	s16 =	sshra.s32 s15, $0x2;
	s15 =	sadd.s32 $0x40, s15;
	v3 =	vmin.f32 v3, v5;
	v4 =	vmax.f32 v4, v5  }
0x18: {  	v5 =	vld [tilespmem:s16+$0x0]  }
0x19: {  	_ =	sdelay $0x3  }
0x1a: {  	s15 =	simm.s32 $0x40;
	s17 =	simm.s32 $0x0;
	v3 =	vmin.f32 v3, v5;
	v4 =	vmax.f32 v4, v5  }
.LBB2_4:
0x1b: {  	p0 =	sne.s32 s15, $0xFC0;
	[tilespmem:s17+$0x8000] =	vst v0;
	s16 =	smov.u32 s15;
	s15 =	sadd.s32 $0x40, s15  }
.Ltmp1:
0x1c: {  	(pc) =	sbr.rel @p0 .LBB2_4-.Ltmp1, $2  }
0x1d: {  	_ =	sdelay $0x2  }
0x1e: {  	s17 =	sshra.s32 s16, $0x2  }
0x1f: {  	(xrf0) =	vmin.scan.msk.f32 $0xffff, v3  }
0x20: {  	(xrf0) =	vmax.scan.msk.f32 $0xffff, v4;
	_ =	sdelay $0x4  }
0x21: {  	v4, _, _ =	vpop (xrf0)  }
0x22: {  	(v2sf) =	vpush v4, $0xF;
	v3, _, _ =	vpop (xrf0)  }
0x23: {  	(v2sf) =	vpush v3, $0xF;
	_ =	sdelay $0xd  }
0x24: {  	s15 =	spop (v2sf)  }
0x25: {  	s16 =	spop (v2sf)  }
0x26: {  	s16 =	ssub.f32 s16, s15;
	_ =	sdelay $0x1  }
0x27: {  	s16 =	smax.f32 s16, $1.000000000e-30  }
0x28: {  	v3 =	vmov s16  }
0x29: {  	(erf) = vrcp.f32 v3;
	_ =	sdelay $0x8  }
0x2a: {  	v3 =	vpop (erf)  }
0x2b: {  	[tilespmem:s17+$0x8000] =	vst v0;
	s18 =	simm.s32 $0x0;
	s17 =	simm.s32 $0x40;
	v4 =	vbroadcast v4, $0xF;
	v3 =	vmul.f32 $6.400000000e+01, v3  }
.LBB2_6:
0x2c: {  	p0 =	sne.s32 s17, $0x1FFC0;
	v5 =	vld [tilespmem:s18+$0x0];
	_ =	sdelay $0x4  }
0x2d: {  	v5 =	vsub.f32 v5, v4;
	_ =	sdelay $0x1  }
0x2e: {  	v5 =	vmul.f32 v5, v3;
	_ =	sdelay $0x1  }
0x2f: {  	v5 =	vmax.f32 v5, $0.0e+00  }
0x30: {  	v5 =	vmin.f32 v5, $6.300000000e+01  }
0x31: {  	v5 =	vtrunc.f32 v5  }
0x32: {  	v5 =	vcvt.f32.s32 v5;
	_ =	sdelay $0x1  }
0x33: {  	v5 =	vshll.u32 v5, $0x4  }
0x34: {  	v5 =	vor.u32 v1, v5  }
.Ltmp2:
0x35: {  	(pc) =	sbr.rel @p0 .LBB2_6-.Ltmp2, $2  }
0x36: {  	_ =	sdelay $0x2  }
0x37: {  	s18 =	sshra.s32 s17, $0x2;
	s17 =	sadd.s32 $0x40, s17;
	[tilespmem:v5+s12+$0x0] =	vst.idx.add.f32.msk $0xffff, v2  }
0x38: {  	v5 =	vld [tilespmem:s18+$0x0];
	_ =	sdelay $0x4  }
0x39: {  	v4 =	vsub.f32 v5, v4;
	_ =	sdelay $0x1  }
0x3a: {  	v3 =	vmul.f32 v4, v3;
	_ =	sdelay $0x1  }
0x3b: {  	v3 =	vmax.f32 v3, $0.0e+00  }
0x3c: {  	v3 =	vmin.f32 v3, $6.300000000e+01  }
0x3d: {  	v3 =	vtrunc.f32 v3  }
0x3e: {  	v3 =	vcvt.f32.s32 v3;
	_ =	sdelay $0x1  }
0x3f: {  	v3 =	vshll.u32 v3, $0x4  }
0x40: {  	v3 =	vor.u32 v1, v3;
	_ =	sdelay $0x4  }
0x41: {  	s17 =	simm.s32 $0x83F0;
	[tilespmem:v3+s12+$0x0] =	vst.idx.add.f32.msk $0xffff, v2  }
0x42: {  	v3 =	vld [tilespmem:s17+$0x0];
	_ =	sdelay $0x4  }
0x43: {  	(xrf2) =	vadd.scan.msk.f32 $0xffff, v3;
	_ =	sdelay $0x9  }
0x44: {  	s24 =	simm.s32 $0x83E0;
	v3, _, _ =	vpop (xrf2)  }
0x45: {  	(v2sf) =	vpush v3, $0xF;
	v3 =	vld [tilespmem:s24+$0x0];
	_ =	sdelay $0x2  }
0x46: {  	s25 =	simm.s32 $0x83D0  }
0x47: {  	v4 =	vld [tilespmem:s25+$0x0]  }
0x48: {  	(xrf2) =	vadd.scan.msk.f32 $0xffff, v3;
	_ =	sdelay $0x3  }
0x49: {  	(xrf2) =	vadd.scan.msk.f32 $0xffff, v4;
	_ =	sdelay $0x3  }
0x4a: {  	s26 =	simm.s32 $0x83C0  }
0x4b: {  	v3 =	vld [tilespmem:s26+$0x0]  }
0x4c: {  	v5, _, _ =	vpop (xrf2)  }
0x4d: {  	s19 =	spop (v2sf);
	(v2sf) =	vpush v5, $0xF;
	_ =	sdelay $0x2  }
0x4e: {  	s29 =	simm.s32 $0x83B0;
	(xrf2) =	vadd.scan.msk.f32 $0xffff, v3;
	v3, _, _ =	vpop (xrf2)  }
0x4f: {  	v4 =	vld [tilespmem:s29+$0x0];
	(v2sf) =	vpush v3, $0xF  }
0x50: {  	s30 =	simm.s32 $0x3F  }
0x51: {  	s16 =	smul.f32 $1.562500000e-02, s16;
	s18 =	scvt.s32.f32 s30  }
0x52: {  	s31 =	simm.f32 $0.0e+00;
	s23 =	simm.s32 $0x3E;
	s21 =	simm.s32 $0x3D  }
0x53: {  	s20 =	simm.s32 $0x3C;
	p1 =	slt.f32 s31, $6.400000000e+01;
	s24 =	smul.f32 s18, s16  }
0x54: {  	s25 =	simm.s32 $0x83A0;
	s17 =	smov.u32 s15;
	s22 =	sadd.f32 s19, s31;
	(xrf2) =	vadd.scan.msk.f32 $0xffff, v4  }
0x55: {  	s18 =	simm.s32 $0x3A;
	s28 =	sadd.f32 s24, s15;
	s26 =	simm.s32 $0x39  }
0x56: {  	s19 =	simm.s32 $0x3B;
	v3 =	vld [tilespmem:s25+$0x0];
	p0 =	sge.f32 s22, $6.400000000e+01;
	s24 =	smov.u32 s22  }
.LBB2_8:
0x57: {  	s29 =	smov.u32 s17  }
0x58: {  	p2 =	sne.s32 s26, $0x0;
	v4, _, _ =	vpop (xrf2);
	s29 =	smov.u32 @p0 s28  }
0x59: {  	s28 =	scvt.s32.f32 s23;
	s23 =	smov.u32 s21;
	(v2sf) =	vpush v4, $0xF;
	s17 =	smov.u32 @p1 s29  }
.Ltmp3:
0x5a: {  	s21 =	smov.u32 s20;
	s29 =	spop (v2sf);
	(pc) =	sbr.rel @p2 .LBB2_8-.Ltmp3, $4  }
0x5b: {  	s20 =	smov.u32 s19;
	s28 =	smul.f32 s28, s16;
	s22 =	sadd.f32 s29, s22  }
0x5c: {  	s19 =	smov.u32 s18;
	s18 =	smov.u32 s26;
	(xrf2) =	vadd.scan.msk.f32 $0xffff, v3  }
0x5d: {  	s25 =	sadd.s32 $0xFFFFFFF0, s25;
	s28 =	sadd.f32 s28, s15;
	p0 =	sge.f32 s22, $6.400000000e+01  }
0x5e: {  	s26 =	sadd.s32 $0xFFFFFFFF, s26;
	p1 =	slt.f32 s24, $6.400000000e+01;
	s24 =	smov.u32 s22;
	v3 =	vld [tilespmem:s25+$0x0]  }
0x5f: {  	_ =	sdelay $0x3  }
0x60: {  	v4, _, _ =	vpop (xrf2);
	(xrf2) =	vadd.scan.msk.f32 $0xffff, v3;
	_ =	sdelay $0x2  }
0x61: {  	(v2sf) =	vpush v4, $0xF;
	_ =	sdelay $0x2  }
0x62: {  	v3, _, _ =	vpop (xrf2)  }
0x63: {  	s26 =	spop (v2sf);
	(v2sf) =	vpush v3, $0xF;
	_ =	sdelay $0x1  }
0x64: {  	s25 =	smov.u32 s17;
	s23 =	scvt.s32.f32 s23  }
0x65: {  	s25 =	smov.u32 @p0 s28;
	s22 =	sadd.f32 s26, s22;
	v3, _, _ =	vpop (xrf2)  }
0x66: {  	s23 =	smul.f32 s23, s16;
	s17 =	smov.u32 @p1 s25;
	s25 =	spop (v2sf);
	(v2sf) =	vpush v3, $0xF  }
0x67: {  	s21 =	scvt.s32.f32 s21  }
0x68: {  	p0 =	sge.f32 s22, $6.400000000e+01;
	s23 =	sadd.f32 s23, s15  }
0x69: {  	p1 =	slt.f32 s24, $6.400000000e+01;
	s24 =	smov.u32 s17  }
0x6a: {  	s21 =	smul.f32 s21, s16;
	s24 =	smov.u32 @p0 s23;
	s23 =	sadd.f32 s25, s22  }
0x6b: {  	s20 =	scvt.s32.f32 s20  }
0x6c: {  	s21 =	sadd.f32 s21, s15;
	s17 =	smov.u32 @p1 s24;
	p0 =	sge.f32 s23, $6.400000000e+01  }
0x6d: {  	p1 =	slt.f32 s22, $6.400000000e+01;
	s22 =	smov.u32 s17;
	s26 =	spop (v2sf)  }
0x6e: {  	s20 =	smul.f32 s20, s16;
	s22 =	smov.u32 @p0 s21;
	s21 =	sadd.f32 s26, s23  }
0x6f: {  	s19 =	scvt.s32.f32 s19  }
0x70: {  	s20 =	sadd.f32 s20, s15;
	s17 =	smov.u32 @p1 s22;
	p0 =	sge.f32 s21, $6.400000000e+01  }
0x71: {  	s19 =	smul.f32 s19, s16;
	s22 =	smov.u32 s17;
	s28 =	spop (v2sf)  }
0x72: {  	p1 =	slt.f32 s23, $6.400000000e+01;
	s22 =	smov.u32 @p0 s20;
	s20 =	sadd.f32 s28, s21  }
0x73: {  	s18 =	scvt.s32.f32 s18  }
0x74: {  	s19 =	sadd.f32 s19, s15;
	s17 =	smov.u32 @p1 s22;
	p0 =	sge.f32 s20, $6.400000000e+01  }
0x75: {  	p1 =	slt.f32 s21, $6.400000000e+01;
	s21 =	smov.u32 s17;
	s29 =	spop (v2sf)  }
0x76: {  	s30 =	smul.f32 s18, s16;
	s21 =	smov.u32 @p0 s19;
	s19 =	sadd.f32 s29, s20  }
0x77: {  	_ = 	snop  }
0x78: {  	s15 =	sadd.f32 s30, s15;
	s17 =	smov.u32 @p1 s21;
	p0 =	sge.f32 s19, $6.400000000e+01  }
0x79: {  	p1 =	slt.f32 s20, $6.400000000e+01;
	s16 =	smov.u32 s17  }
0x7a: {  	s16 =	smov.u32 @p0 s15  }
0x7b: {  	s17 =	smov.u32 @p1 s16  }
0x7c: {  	v3 =	vmov s17  }
0x7d: {  	[tilespmem:$0x8400] =	vst v3  }
0x7e: {  	[tilespmem:$0x8410] =	vst v3  }
0x7f: {  	[tilespmem:$0x8420] =	vst v3  }
0x80: {  	[tilespmem:$0x8430] =	vst v3  }
0x81: {  	[tilespmem:$0x8440] =	vst v3  }
0x82: {  	[tilespmem:$0x8450] =	vst v3  }
0x83: {  	[tilespmem:$0x8460] =	vst v3  }
0x84: {  	[tilespmem:$0x8470] =	vst v3  }
0x85: {  	[tilespmem:s2], [sflag:$0x1] =	stream.strided.gather [hbm4b:s4+s9], $0x8000, s10, s9, $0x38;
	[tilespmem:$0x8600] =	vst v63  }
0x86: {  	_ =	swait.ge [sflag:s11], $0x8000  }
0x87: {  	[sflag:s11] =	ssyncset.done $0x0  }
0x88: {  	[sflag:s11] =	ssyncadd.s32 $0xFFFF8000  }
0x89: {  	v3 =	vld [tilespmem:$0x0];
	_ =	sdelay $0x3  }
0x8a: {  	s31 =	simm.s32 $0x10  }
0x8b: {  	s15 =	simm.s32 $0x80;
	v5 =	vld [tilespmem:s31+$0x0];
	v4 =	vmov v3  }
.LBB2_10:
0x8c: {  	p0 =	sne.s32 s15, $0x1FFC0  }
.Ltmp4:
0x8d: {  	_ = 	snop;
	(pc) =	sbr.rel @p0 .LBB2_10-.Ltmp4, $3  }
0x8e: {  	_ =	sdelay $0x1  }
0x8f: {  	s16 =	sshra.s32 s15, $0x2;
	s15 =	sadd.s32 $0x40, s15;
	v3 =	vmin.f32 v3, v5;
	v4 =	vmax.f32 v4, v5  }
0x90: {  	v5 =	vld [tilespmem:s16+$0x0]  }
0x91: {  	_ =	sdelay $0x3  }
0x92: {  	s15 =	simm.s32 $0x40;
	s17 =	simm.s32 $0x0;
	v3 =	vmin.f32 v3, v5;
	v4 =	vmax.f32 v4, v5  }
.LBB2_12:
0x93: {  	p0 =	sne.s32 s15, $0xFC0;
	[tilespmem:s17+$0x8000] =	vst v0;
	s16 =	smov.u32 s15;
	s15 =	sadd.s32 $0x40, s15  }
.Ltmp5:
0x94: {  	(pc) =	sbr.rel @p0 .LBB2_12-.Ltmp5, $2  }
0x95: {  	_ =	sdelay $0x2  }
0x96: {  	s17 =	sshra.s32 s16, $0x2  }
0x97: {  	(xrf0) =	vmin.scan.msk.f32 $0xffff, v3  }
0x98: {  	(xrf0) =	vmax.scan.msk.f32 $0xffff, v4;
	_ =	sdelay $0x4  }
0x99: {  	v4, _, _ =	vpop (xrf0)  }
0x9a: {  	(v2sf) =	vpush v4, $0xF;
	v3, _, _ =	vpop (xrf0)  }
0x9b: {  	(v2sf) =	vpush v3, $0xF;
	_ =	sdelay $0xd  }
0x9c: {  	s15 =	spop (v2sf)  }
0x9d: {  	s16 =	spop (v2sf)  }
0x9e: {  	s16 =	ssub.f32 s16, s15;
	_ =	sdelay $0x1  }
0x9f: {  	s16 =	smax.f32 s16, $1.000000000e-30  }
0xa0: {  	v3 =	vmov s16  }
0xa1: {  	(erf) = vrcp.f32 v3;
	_ =	sdelay $0x8  }
0xa2: {  	v3 =	vpop (erf)  }
0xa3: {  	[tilespmem:s17+$0x8000] =	vst v0;
	s18 =	simm.s32 $0x0;
	s17 =	simm.s32 $0x40;
	v4 =	vbroadcast v4, $0xF;
	v3 =	vmul.f32 $6.400000000e+01, v3  }
.LBB2_14:
0xa4: {  	p0 =	sne.s32 s17, $0x1FFC0;
	v5 =	vld [tilespmem:s18+$0x0];
	_ =	sdelay $0x4  }
0xa5: {  	v5 =	vsub.f32 v5, v4;
	_ =	sdelay $0x1  }
0xa6: {  	v5 =	vmul.f32 v5, v3;
	_ =	sdelay $0x1  }
0xa7: {  	v5 =	vmax.f32 v5, $0.0e+00  }
0xa8: {  	v5 =	vmin.f32 v5, $6.300000000e+01  }
0xa9: {  	v5 =	vtrunc.f32 v5  }
0xaa: {  	v5 =	vcvt.f32.s32 v5;
	_ =	sdelay $0x1  }
0xab: {  	v5 =	vshll.u32 v5, $0x4  }
0xac: {  	v5 =	vor.u32 v1, v5  }
.Ltmp6:
0xad: {  	(pc) =	sbr.rel @p0 .LBB2_14-.Ltmp6, $2  }
0xae: {  	_ =	sdelay $0x2  }
0xaf: {  	s18 =	sshra.s32 s17, $0x2;
	s17 =	sadd.s32 $0x40, s17;
	[tilespmem:v5+s12+$0x0] =	vst.idx.add.f32.msk $0xffff, v2  }
0xb0: {  	v5 =	vld [tilespmem:s18+$0x0];
	_ =	sdelay $0x4  }
0xb1: {  	v4 =	vsub.f32 v5, v4;
	_ =	sdelay $0x1  }
0xb2: {  	v3 =	vmul.f32 v4, v3;
	_ =	sdelay $0x1  }
0xb3: {  	v3 =	vmax.f32 v3, $0.0e+00  }
0xb4: {  	v3 =	vmin.f32 v3, $6.300000000e+01  }
0xb5: {  	v3 =	vtrunc.f32 v3  }
0xb6: {  	v3 =	vcvt.f32.s32 v3;
	_ =	sdelay $0x1  }
0xb7: {  	v3 =	vshll.u32 v3, $0x4  }
0xb8: {  	v3 =	vor.u32 v1, v3;
	_ =	sdelay $0x4  }
0xb9: {  	s17 =	simm.s32 $0x83F0;
	[tilespmem:v3+s12+$0x0] =	vst.idx.add.f32.msk $0xffff, v2  }
0xba: {  	v3 =	vld [tilespmem:s17+$0x0];
	_ =	sdelay $0x4  }
0xbb: {  	(xrf2) =	vadd.scan.msk.f32 $0xffff, v3;
	_ =	sdelay $0x9  }
0xbc: {  	s24 =	simm.s32 $0x83E0;
	v3, _, _ =	vpop (xrf2)  }
0xbd: {  	(v2sf) =	vpush v3, $0xF;
	v3 =	vld [tilespmem:s24+$0x0];
	_ =	sdelay $0x2  }
0xbe: {  	s25 =	simm.s32 $0x83D0  }
0xbf: {  	v4 =	vld [tilespmem:s25+$0x0]  }
0xc0: {  	(xrf2) =	vadd.scan.msk.f32 $0xffff, v3;
	_ =	sdelay $0x3  }
0xc1: {  	(xrf2) =	vadd.scan.msk.f32 $0xffff, v4;
	_ =	sdelay $0x3  }
0xc2: {  	s26 =	simm.s32 $0x83C0  }
0xc3: {  	v3 =	vld [tilespmem:s26+$0x0]  }
0xc4: {  	v5, _, _ =	vpop (xrf2)  }
0xc5: {  	s19 =	spop (v2sf);
	(v2sf) =	vpush v5, $0xF;
	_ =	sdelay $0x2  }
0xc6: {  	s29 =	simm.s32 $0x83B0;
	(xrf2) =	vadd.scan.msk.f32 $0xffff, v3;
	v3, _, _ =	vpop (xrf2)  }
0xc7: {  	v4 =	vld [tilespmem:s29+$0x0];
	(v2sf) =	vpush v3, $0xF  }
0xc8: {  	s30 =	simm.s32 $0x3F  }
0xc9: {  	s16 =	smul.f32 $1.562500000e-02, s16;
	s18 =	scvt.s32.f32 s30  }
0xca: {  	s31 =	simm.f32 $0.0e+00;
	s23 =	simm.s32 $0x3E;
	s21 =	simm.s32 $0x3D  }
0xcb: {  	s20 =	simm.s32 $0x3C;
	p1 =	slt.f32 s31, $6.400000000e+01;
	s24 =	smul.f32 s18, s16  }
0xcc: {  	s25 =	simm.s32 $0x83A0;
	s17 =	smov.u32 s15;
	s22 =	sadd.f32 s19, s31;
	(xrf2) =	vadd.scan.msk.f32 $0xffff, v4  }
0xcd: {  	s18 =	simm.s32 $0x3A;
	s28 =	sadd.f32 s24, s15;
	s26 =	simm.s32 $0x39  }
0xce: {  	s19 =	simm.s32 $0x3B;
	v3 =	vld [tilespmem:s25+$0x0];
	p0 =	sge.f32 s22, $6.400000000e+01;
	s24 =	smov.u32 s22  }
.LBB2_16:
0xcf: {  	s29 =	smov.u32 s17  }
0xd0: {  	p2 =	sne.s32 s26, $0x0;
	v4, _, _ =	vpop (xrf2);
	s29 =	smov.u32 @p0 s28  }
0xd1: {  	s28 =	scvt.s32.f32 s23;
	s23 =	smov.u32 s21;
	(v2sf) =	vpush v4, $0xF;
	s17 =	smov.u32 @p1 s29  }
.Ltmp7:
0xd2: {  	s21 =	smov.u32 s20;
	s29 =	spop (v2sf);
	(pc) =	sbr.rel @p2 .LBB2_16-.Ltmp7, $4  }
0xd3: {  	s20 =	smov.u32 s19;
	s28 =	smul.f32 s28, s16;
	s22 =	sadd.f32 s29, s22  }
0xd4: {  	s19 =	smov.u32 s18;
	s18 =	smov.u32 s26;
	(xrf2) =	vadd.scan.msk.f32 $0xffff, v3  }
0xd5: {  	s25 =	sadd.s32 $0xFFFFFFF0, s25;
	s28 =	sadd.f32 s28, s15;
	p0 =	sge.f32 s22, $6.400000000e+01  }
0xd6: {  	s26 =	sadd.s32 $0xFFFFFFFF, s26;
	p1 =	slt.f32 s24, $6.400000000e+01;
	s24 =	smov.u32 s22;
	v3 =	vld [tilespmem:s25+$0x0]  }
0xd7: {  	_ =	sdelay $0x3  }
0xd8: {  	v4, _, _ =	vpop (xrf2);
	(xrf2) =	vadd.scan.msk.f32 $0xffff, v3;
	_ =	sdelay $0x2  }
0xd9: {  	(v2sf) =	vpush v4, $0xF;
	_ =	sdelay $0x2  }
0xda: {  	v3, _, _ =	vpop (xrf2)  }
0xdb: {  	s26 =	spop (v2sf);
	(v2sf) =	vpush v3, $0xF;
	_ =	sdelay $0x1  }
0xdc: {  	s25 =	smov.u32 s17;
	s23 =	scvt.s32.f32 s23  }
0xdd: {  	s25 =	smov.u32 @p0 s28;
	s22 =	sadd.f32 s26, s22;
	v3, _, _ =	vpop (xrf2)  }
0xde: {  	s23 =	smul.f32 s23, s16;
	s17 =	smov.u32 @p1 s25;
	s25 =	spop (v2sf);
	(v2sf) =	vpush v3, $0xF  }
0xdf: {  	s21 =	scvt.s32.f32 s21  }
0xe0: {  	p0 =	sge.f32 s22, $6.400000000e+01;
	s23 =	sadd.f32 s23, s15  }
0xe1: {  	p1 =	slt.f32 s24, $6.400000000e+01;
	s24 =	smov.u32 s17  }
0xe2: {  	s21 =	smul.f32 s21, s16;
	s24 =	smov.u32 @p0 s23;
	s23 =	sadd.f32 s25, s22  }
0xe3: {  	s20 =	scvt.s32.f32 s20  }
0xe4: {  	s21 =	sadd.f32 s21, s15;
	s17 =	smov.u32 @p1 s24;
	p0 =	sge.f32 s23, $6.400000000e+01  }
0xe5: {  	p1 =	slt.f32 s22, $6.400000000e+01;
	s22 =	smov.u32 s17;
	s26 =	spop (v2sf)  }
0xe6: {  	s20 =	smul.f32 s20, s16;
	s22 =	smov.u32 @p0 s21;
	s21 =	sadd.f32 s26, s23  }
0xe7: {  	s19 =	scvt.s32.f32 s19  }
0xe8: {  	s20 =	sadd.f32 s20, s15;
	s17 =	smov.u32 @p1 s22;
	p0 =	sge.f32 s21, $6.400000000e+01  }
0xe9: {  	s19 =	smul.f32 s19, s16;
	s22 =	smov.u32 s17;
	s28 =	spop (v2sf)  }
0xea: {  	p1 =	slt.f32 s23, $6.400000000e+01;
	s22 =	smov.u32 @p0 s20;
	s20 =	sadd.f32 s28, s21  }
0xeb: {  	s18 =	scvt.s32.f32 s18  }
0xec: {  	s19 =	sadd.f32 s19, s15;
	s17 =	smov.u32 @p1 s22;
	p0 =	sge.f32 s20, $6.400000000e+01  }
0xed: {  	p1 =	slt.f32 s21, $6.400000000e+01;
	s21 =	smov.u32 s17;
	s29 =	spop (v2sf)  }
0xee: {  	s30 =	smul.f32 s18, s16;
	s21 =	smov.u32 @p0 s19;
	s19 =	sadd.f32 s29, s20  }
0xef: {  	_ = 	snop  }
0xf0: {  	s15 =	sadd.f32 s30, s15;
	s17 =	smov.u32 @p1 s21;
	p0 =	sge.f32 s19, $6.400000000e+01  }
0xf1: {  	p1 =	slt.f32 s20, $6.400000000e+01;
	s16 =	smov.u32 s17  }
0xf2: {  	s16 =	smov.u32 @p0 s15  }
0xf3: {  	s17 =	smov.u32 @p1 s16  }
0xf4: {  	v3 =	vmov s17  }
0xf5: {  	[tilespmem:$0x8480] =	vst v3  }
0xf6: {  	[tilespmem:$0x8490] =	vst v3  }
0xf7: {  	[tilespmem:$0x84A0] =	vst v3  }
0xf8: {  	[tilespmem:$0x84B0] =	vst v3  }
0xf9: {  	[tilespmem:$0x84C0] =	vst v3  }
0xfa: {  	[tilespmem:$0x84D0] =	vst v3  }
0xfb: {  	[tilespmem:$0x84E0] =	vst v3  }
0xfc: {  	[tilespmem:$0x84F0] =	vst v3  }
0xfd: {  	[tilespmem:s2], [sflag:$0x1] =	stream.strided.gather [hbm4b:s5+s9], $0x8000, s10, s9, $0x38;
	[tilespmem:$0x8600] =	vst v63  }
0xfe: {  	_ =	swait.ge [sflag:s11], $0x8000  }
0xff: {  	[sflag:s11] =	ssyncset.done $0x0  }
0x100: {  	[sflag:s11] =	ssyncadd.s32 $0xFFFF8000  }
0x101: {  	v3 =	vld [tilespmem:$0x0];
	_ =	sdelay $0x3  }
0x102: {  	s31 =	simm.s32 $0x10  }
0x103: {  	s15 =	simm.s32 $0x80;
	v5 =	vld [tilespmem:s31+$0x0];
	v4 =	vmov v3  }
.LBB2_18:
0x104: {  	p0 =	sne.s32 s15, $0x1FFC0  }
.Ltmp8:
0x105: {  	_ = 	snop;
	(pc) =	sbr.rel @p0 .LBB2_18-.Ltmp8, $3  }
0x106: {  	_ =	sdelay $0x1  }
0x107: {  	s16 =	sshra.s32 s15, $0x2;
	s15 =	sadd.s32 $0x40, s15;
	v3 =	vmin.f32 v3, v5;
	v4 =	vmax.f32 v4, v5  }
0x108: {  	v5 =	vld [tilespmem:s16+$0x0]  }
0x109: {  	_ =	sdelay $0x3  }
0x10a: {  	s15 =	simm.s32 $0x40;
	s17 =	simm.s32 $0x0;
	v3 =	vmin.f32 v3, v5;
	v4 =	vmax.f32 v4, v5  }
.LBB2_20:
0x10b: {  	p0 =	sne.s32 s15, $0xFC0;
	[tilespmem:s17+$0x8000] =	vst v0;
	s16 =	smov.u32 s15;
	s15 =	sadd.s32 $0x40, s15  }
.Ltmp9:
0x10c: {  	(pc) =	sbr.rel @p0 .LBB2_20-.Ltmp9, $2  }
0x10d: {  	_ =	sdelay $0x2  }
0x10e: {  	s17 =	sshra.s32 s16, $0x2  }
0x10f: {  	(xrf0) =	vmin.scan.msk.f32 $0xffff, v3  }
0x110: {  	(xrf0) =	vmax.scan.msk.f32 $0xffff, v4;
	_ =	sdelay $0x4  }
0x111: {  	v4, _, _ =	vpop (xrf0)  }
0x112: {  	(v2sf) =	vpush v4, $0xF;
	v3, _, _ =	vpop (xrf0)  }
0x113: {  	(v2sf) =	vpush v3, $0xF;
	_ =	sdelay $0xd  }
0x114: {  	s15 =	spop (v2sf)  }
0x115: {  	s16 =	spop (v2sf)  }
0x116: {  	s16 =	ssub.f32 s16, s15;
	_ =	sdelay $0x1  }
0x117: {  	s16 =	smax.f32 s16, $1.000000000e-30  }
0x118: {  	v3 =	vmov s16  }
0x119: {  	(erf) = vrcp.f32 v3;
	_ =	sdelay $0x8  }
0x11a: {  	v3 =	vpop (erf)  }
0x11b: {  	[tilespmem:s17+$0x8000] =	vst v0;
	s18 =	simm.s32 $0x0;
	s17 =	simm.s32 $0x40;
	v4 =	vbroadcast v4, $0xF;
	v3 =	vmul.f32 $6.400000000e+01, v3  }
.LBB2_22:
0x11c: {  	p0 =	sne.s32 s17, $0x1FFC0;
	v5 =	vld [tilespmem:s18+$0x0];
	_ =	sdelay $0x4  }
0x11d: {  	v5 =	vsub.f32 v5, v4;
	_ =	sdelay $0x1  }
0x11e: {  	v5 =	vmul.f32 v5, v3;
	_ =	sdelay $0x1  }
0x11f: {  	v5 =	vmax.f32 v5, $0.0e+00  }
0x120: {  	v5 =	vmin.f32 v5, $6.300000000e+01  }
0x121: {  	v5 =	vtrunc.f32 v5  }
0x122: {  	v5 =	vcvt.f32.s32 v5;
	_ =	sdelay $0x1  }
0x123: {  	v5 =	vshll.u32 v5, $0x4  }
0x124: {  	v5 =	vor.u32 v1, v5  }
.Ltmp10:
0x125: {  	(pc) =	sbr.rel @p0 .LBB2_22-.Ltmp10, $2  }
0x126: {  	_ =	sdelay $0x2  }
0x127: {  	s18 =	sshra.s32 s17, $0x2;
	s17 =	sadd.s32 $0x40, s17;
	[tilespmem:v5+s12+$0x0] =	vst.idx.add.f32.msk $0xffff, v2  }
0x128: {  	v5 =	vld [tilespmem:s18+$0x0];
	_ =	sdelay $0x4  }
0x129: {  	v4 =	vsub.f32 v5, v4;
	_ =	sdelay $0x1  }
0x12a: {  	v3 =	vmul.f32 v4, v3;
	_ =	sdelay $0x1  }
0x12b: {  	v3 =	vmax.f32 v3, $0.0e+00  }
0x12c: {  	v3 =	vmin.f32 v3, $6.300000000e+01  }
0x12d: {  	v3 =	vtrunc.f32 v3  }
0x12e: {  	v3 =	vcvt.f32.s32 v3;
	_ =	sdelay $0x1  }
0x12f: {  	v3 =	vshll.u32 v3, $0x4  }
0x130: {  	v3 =	vor.u32 v1, v3;
	_ =	sdelay $0x4  }
0x131: {  	s17 =	simm.s32 $0x83F0;
	[tilespmem:v3+s12+$0x0] =	vst.idx.add.f32.msk $0xffff, v2  }
0x132: {  	v3 =	vld [tilespmem:s17+$0x0];
	_ =	sdelay $0x4  }
0x133: {  	(xrf2) =	vadd.scan.msk.f32 $0xffff, v3;
	_ =	sdelay $0x9  }
0x134: {  	s24 =	simm.s32 $0x83E0;
	v3, _, _ =	vpop (xrf2)  }
0x135: {  	(v2sf) =	vpush v3, $0xF;
	v3 =	vld [tilespmem:s24+$0x0];
	_ =	sdelay $0x2  }
0x136: {  	s25 =	simm.s32 $0x83D0  }
0x137: {  	v4 =	vld [tilespmem:s25+$0x0]  }
0x138: {  	(xrf2) =	vadd.scan.msk.f32 $0xffff, v3;
	_ =	sdelay $0x3  }
0x139: {  	(xrf2) =	vadd.scan.msk.f32 $0xffff, v4;
	_ =	sdelay $0x3  }
0x13a: {  	s26 =	simm.s32 $0x83C0  }
0x13b: {  	v3 =	vld [tilespmem:s26+$0x0]  }
0x13c: {  	v5, _, _ =	vpop (xrf2)  }
0x13d: {  	s19 =	spop (v2sf);
	(v2sf) =	vpush v5, $0xF;
	_ =	sdelay $0x2  }
0x13e: {  	s29 =	simm.s32 $0x83B0;
	(xrf2) =	vadd.scan.msk.f32 $0xffff, v3;
	v3, _, _ =	vpop (xrf2)  }
0x13f: {  	v4 =	vld [tilespmem:s29+$0x0];
	(v2sf) =	vpush v3, $0xF  }
0x140: {  	s30 =	simm.s32 $0x3F  }
0x141: {  	s16 =	smul.f32 $1.562500000e-02, s16;
	s18 =	scvt.s32.f32 s30  }
0x142: {  	s31 =	simm.f32 $0.0e+00;
	s23 =	simm.s32 $0x3E;
	s21 =	simm.s32 $0x3D  }
0x143: {  	s20 =	simm.s32 $0x3C;
	p1 =	slt.f32 s31, $6.400000000e+01;
	s24 =	smul.f32 s18, s16  }
0x144: {  	s25 =	simm.s32 $0x83A0;
	s17 =	smov.u32 s15;
	s22 =	sadd.f32 s19, s31;
	(xrf2) =	vadd.scan.msk.f32 $0xffff, v4  }
0x145: {  	s18 =	simm.s32 $0x3A;
	s28 =	sadd.f32 s24, s15;
	s26 =	simm.s32 $0x39  }
0x146: {  	s19 =	simm.s32 $0x3B;
	v3 =	vld [tilespmem:s25+$0x0];
	p0 =	sge.f32 s22, $6.400000000e+01;
	s24 =	smov.u32 s22  }
.LBB2_24:
0x147: {  	s29 =	smov.u32 s17  }
0x148: {  	p2 =	sne.s32 s26, $0x0;
	v4, _, _ =	vpop (xrf2);
	s29 =	smov.u32 @p0 s28  }
0x149: {  	s28 =	scvt.s32.f32 s23;
	s23 =	smov.u32 s21;
	(v2sf) =	vpush v4, $0xF;
	s17 =	smov.u32 @p1 s29  }
.Ltmp11:
0x14a: {  	s21 =	smov.u32 s20;
	s29 =	spop (v2sf);
	(pc) =	sbr.rel @p2 .LBB2_24-.Ltmp11, $4  }
0x14b: {  	s20 =	smov.u32 s19;
	s28 =	smul.f32 s28, s16;
	s22 =	sadd.f32 s29, s22  }
0x14c: {  	s19 =	smov.u32 s18;
	s18 =	smov.u32 s26;
	(xrf2) =	vadd.scan.msk.f32 $0xffff, v3  }
0x14d: {  	s25 =	sadd.s32 $0xFFFFFFF0, s25;
	s28 =	sadd.f32 s28, s15;
	p0 =	sge.f32 s22, $6.400000000e+01  }
0x14e: {  	s26 =	sadd.s32 $0xFFFFFFFF, s26;
	p1 =	slt.f32 s24, $6.400000000e+01;
	s24 =	smov.u32 s22;
	v3 =	vld [tilespmem:s25+$0x0]  }
0x14f: {  	_ =	sdelay $0x3  }
0x150: {  	v4, _, _ =	vpop (xrf2);
	(xrf2) =	vadd.scan.msk.f32 $0xffff, v3;
	_ =	sdelay $0x2  }
0x151: {  	(v2sf) =	vpush v4, $0xF;
	_ =	sdelay $0x2  }
0x152: {  	v3, _, _ =	vpop (xrf2)  }
0x153: {  	s26 =	spop (v2sf);
	(v2sf) =	vpush v3, $0xF;
	_ =	sdelay $0x1  }
0x154: {  	s25 =	smov.u32 s17;
	s23 =	scvt.s32.f32 s23  }
0x155: {  	s25 =	smov.u32 @p0 s28;
	s22 =	sadd.f32 s26, s22;
	v3, _, _ =	vpop (xrf2)  }
0x156: {  	s23 =	smul.f32 s23, s16;
	s17 =	smov.u32 @p1 s25;
	s25 =	spop (v2sf);
	(v2sf) =	vpush v3, $0xF  }
0x157: {  	s21 =	scvt.s32.f32 s21  }
0x158: {  	p0 =	sge.f32 s22, $6.400000000e+01;
	s23 =	sadd.f32 s23, s15  }
0x159: {  	p1 =	slt.f32 s24, $6.400000000e+01;
	s24 =	smov.u32 s17  }
0x15a: {  	s21 =	smul.f32 s21, s16;
	s24 =	smov.u32 @p0 s23;
	s23 =	sadd.f32 s25, s22  }
0x15b: {  	s20 =	scvt.s32.f32 s20  }
0x15c: {  	s21 =	sadd.f32 s21, s15;
	s17 =	smov.u32 @p1 s24;
	p0 =	sge.f32 s23, $6.400000000e+01  }
0x15d: {  	p1 =	slt.f32 s22, $6.400000000e+01;
	s22 =	smov.u32 s17;
	s26 =	spop (v2sf)  }
0x15e: {  	s20 =	smul.f32 s20, s16;
	s22 =	smov.u32 @p0 s21;
	s21 =	sadd.f32 s26, s23  }
0x15f: {  	s19 =	scvt.s32.f32 s19  }
0x160: {  	s20 =	sadd.f32 s20, s15;
	s17 =	smov.u32 @p1 s22;
	p0 =	sge.f32 s21, $6.400000000e+01  }
0x161: {  	s19 =	smul.f32 s19, s16;
	s22 =	smov.u32 s17;
	s28 =	spop (v2sf)  }
0x162: {  	p1 =	slt.f32 s23, $6.400000000e+01;
	s22 =	smov.u32 @p0 s20;
	s20 =	sadd.f32 s28, s21  }
0x163: {  	s18 =	scvt.s32.f32 s18  }
0x164: {  	s19 =	sadd.f32 s19, s15;
	s17 =	smov.u32 @p1 s22;
	p0 =	sge.f32 s20, $6.400000000e+01  }
0x165: {  	p1 =	slt.f32 s21, $6.400000000e+01;
	s21 =	smov.u32 s17;
	s29 =	spop (v2sf)  }
0x166: {  	s30 =	smul.f32 s18, s16;
	s21 =	smov.u32 @p0 s19;
	s19 =	sadd.f32 s29, s20  }
0x167: {  	_ = 	snop  }
0x168: {  	s15 =	sadd.f32 s30, s15;
	s17 =	smov.u32 @p1 s21;
	p0 =	sge.f32 s19, $6.400000000e+01  }
0x169: {  	p1 =	slt.f32 s20, $6.400000000e+01;
	s16 =	smov.u32 s17  }
0x16a: {  	s16 =	smov.u32 @p0 s15  }
0x16b: {  	s17 =	smov.u32 @p1 s16  }
0x16c: {  	v3 =	vmov s17  }
0x16d: {  	[tilespmem:$0x8500] =	vst v3  }
0x16e: {  	[tilespmem:$0x8510] =	vst v3  }
0x16f: {  	[tilespmem:$0x8520] =	vst v3  }
0x170: {  	[tilespmem:$0x8530] =	vst v3  }
0x171: {  	[tilespmem:$0x8540] =	vst v3  }
0x172: {  	[tilespmem:$0x8550] =	vst v3  }
0x173: {  	[tilespmem:$0x8560] =	vst v3  }
0x174: {  	[tilespmem:$0x8570] =	vst v3  }
0x175: {  	[tilespmem:s2], [sflag:$0x1] =	stream.strided.gather [hbm4b:s6+s9], $0x8000, s10, s9, $0x38;
	[tilespmem:$0x8600] =	vst v63  }
0x176: {  	_ =	swait.ge [sflag:s11], $0x8000  }
0x177: {  	[sflag:s11] =	ssyncset.done $0x0  }
0x178: {  	[sflag:s11] =	ssyncadd.s32 $0xFFFF8000  }
0x179: {  	v3 =	vld [tilespmem:$0x0];
	_ =	sdelay $0x3  }
0x17a: {  	s31 =	simm.s32 $0x10  }
0x17b: {  	s15 =	simm.s32 $0x80;
	v5 =	vld [tilespmem:s31+$0x0];
	v4 =	vmov v3  }
.LBB2_26:
0x17c: {  	p0 =	sne.s32 s15, $0x1FFC0  }
.Ltmp12:
0x17d: {  	_ = 	snop;
	(pc) =	sbr.rel @p0 .LBB2_26-.Ltmp12, $3  }
0x17e: {  	_ =	sdelay $0x1  }
0x17f: {  	s16 =	sshra.s32 s15, $0x2;
	s15 =	sadd.s32 $0x40, s15;
	v3 =	vmin.f32 v3, v5;
	v4 =	vmax.f32 v4, v5  }
0x180: {  	v5 =	vld [tilespmem:s16+$0x0]  }
0x181: {  	_ =	sdelay $0x3  }
0x182: {  	s15 =	simm.s32 $0x40;
	s17 =	simm.s32 $0x0;
	v3 =	vmin.f32 v3, v5;
	v4 =	vmax.f32 v4, v5  }
.LBB2_28:
0x183: {  	p0 =	sne.s32 s15, $0xFC0;
	[tilespmem:s17+$0x8000] =	vst v0;
	s16 =	smov.u32 s15;
	s15 =	sadd.s32 $0x40, s15  }
.Ltmp13:
0x184: {  	(pc) =	sbr.rel @p0 .LBB2_28-.Ltmp13, $2  }
0x185: {  	_ =	sdelay $0x2  }
0x186: {  	s17 =	sshra.s32 s16, $0x2  }
0x187: {  	(xrf0) =	vmin.scan.msk.f32 $0xffff, v3  }
0x188: {  	(xrf0) =	vmax.scan.msk.f32 $0xffff, v4;
	_ =	sdelay $0x4  }
0x189: {  	v4, _, _ =	vpop (xrf0)  }
0x18a: {  	(v2sf) =	vpush v4, $0xF;
	v3, _, _ =	vpop (xrf0)  }
0x18b: {  	(v2sf) =	vpush v3, $0xF;
	_ =	sdelay $0xd  }
0x18c: {  	s15 =	spop (v2sf)  }
0x18d: {  	s16 =	spop (v2sf)  }
0x18e: {  	s16 =	ssub.f32 s16, s15;
	_ =	sdelay $0x1  }
0x18f: {  	s16 =	smax.f32 s16, $1.000000000e-30  }
0x190: {  	v3 =	vmov s16  }
0x191: {  	(erf) = vrcp.f32 v3;
	_ =	sdelay $0x8  }
0x192: {  	v3 =	vpop (erf)  }
0x193: {  	[tilespmem:s17+$0x8000] =	vst v0;
	s18 =	simm.s32 $0x0;
	s17 =	simm.s32 $0x40;
	v4 =	vbroadcast v4, $0xF;
	v3 =	vmul.f32 $6.400000000e+01, v3  }
.LBB2_30:
0x194: {  	p0 =	sne.s32 s17, $0x1FFC0;
	v5 =	vld [tilespmem:s18+$0x0];
	_ =	sdelay $0x4  }
0x195: {  	v5 =	vsub.f32 v5, v4;
	_ =	sdelay $0x1  }
0x196: {  	v5 =	vmul.f32 v5, v3;
	_ =	sdelay $0x1  }
0x197: {  	v5 =	vmax.f32 v5, $0.0e+00  }
0x198: {  	v5 =	vmin.f32 v5, $6.300000000e+01  }
0x199: {  	v5 =	vtrunc.f32 v5  }
0x19a: {  	v5 =	vcvt.f32.s32 v5;
	_ =	sdelay $0x1  }
0x19b: {  	v5 =	vshll.u32 v5, $0x4  }
0x19c: {  	v5 =	vor.u32 v1, v5  }
.Ltmp14:
0x19d: {  	(pc) =	sbr.rel @p0 .LBB2_30-.Ltmp14, $2  }
0x19e: {  	_ =	sdelay $0x2  }
0x19f: {  	s18 =	sshra.s32 s17, $0x2;
	s17 =	sadd.s32 $0x40, s17;
	[tilespmem:v5+s12+$0x0] =	vst.idx.add.f32.msk $0xffff, v2  }
0x1a0: {  	v5 =	vld [tilespmem:s18+$0x0];
	_ =	sdelay $0x4  }
0x1a1: {  	v4 =	vsub.f32 v5, v4;
	_ =	sdelay $0x1  }
0x1a2: {  	v3 =	vmul.f32 v4, v3;
	_ =	sdelay $0x1  }
0x1a3: {  	v3 =	vmax.f32 v3, $0.0e+00  }
0x1a4: {  	v3 =	vmin.f32 v3, $6.300000000e+01  }
0x1a5: {  	v3 =	vtrunc.f32 v3  }
0x1a6: {  	v3 =	vcvt.f32.s32 v3;
	_ =	sdelay $0x1  }
0x1a7: {  	v3 =	vshll.u32 v3, $0x4  }
0x1a8: {  	v3 =	vor.u32 v1, v3;
	_ =	sdelay $0x4  }
0x1a9: {  	s17 =	simm.s32 $0x83F0;
	[tilespmem:v3+s12+$0x0] =	vst.idx.add.f32.msk $0xffff, v2  }
0x1aa: {  	v3 =	vld [tilespmem:s17+$0x0];
	_ =	sdelay $0x4  }
0x1ab: {  	(xrf2) =	vadd.scan.msk.f32 $0xffff, v3;
	_ =	sdelay $0x9  }
0x1ac: {  	s24 =	simm.s32 $0x83E0;
	v3, _, _ =	vpop (xrf2)  }
0x1ad: {  	(v2sf) =	vpush v3, $0xF;
	v3 =	vld [tilespmem:s24+$0x0];
	_ =	sdelay $0x2  }
0x1ae: {  	s25 =	simm.s32 $0x83D0  }
0x1af: {  	v4 =	vld [tilespmem:s25+$0x0]  }
0x1b0: {  	(xrf2) =	vadd.scan.msk.f32 $0xffff, v3;
	_ =	sdelay $0x3  }
0x1b1: {  	(xrf2) =	vadd.scan.msk.f32 $0xffff, v4;
	_ =	sdelay $0x3  }
0x1b2: {  	s26 =	simm.s32 $0x83C0  }
0x1b3: {  	v3 =	vld [tilespmem:s26+$0x0]  }
0x1b4: {  	v5, _, _ =	vpop (xrf2)  }
0x1b5: {  	s19 =	spop (v2sf);
	(v2sf) =	vpush v5, $0xF;
	_ =	sdelay $0x2  }
0x1b6: {  	s29 =	simm.s32 $0x83B0;
	(xrf2) =	vadd.scan.msk.f32 $0xffff, v3;
	v3, _, _ =	vpop (xrf2)  }
0x1b7: {  	v4 =	vld [tilespmem:s29+$0x0];
	(v2sf) =	vpush v3, $0xF  }
0x1b8: {  	s30 =	simm.s32 $0x3F  }
0x1b9: {  	s16 =	smul.f32 $1.562500000e-02, s16;
	s18 =	scvt.s32.f32 s30  }
0x1ba: {  	s31 =	simm.f32 $0.0e+00;
	s23 =	simm.s32 $0x3E;
	s21 =	simm.s32 $0x3D  }
0x1bb: {  	s20 =	simm.s32 $0x3C;
	p1 =	slt.f32 s31, $6.400000000e+01;
	s24 =	smul.f32 s18, s16  }
0x1bc: {  	s25 =	simm.s32 $0x83A0;
	s17 =	smov.u32 s15;
	s22 =	sadd.f32 s19, s31;
	(xrf2) =	vadd.scan.msk.f32 $0xffff, v4  }
0x1bd: {  	s18 =	simm.s32 $0x3A;
	s28 =	sadd.f32 s24, s15;
	s26 =	simm.s32 $0x39  }
0x1be: {  	s19 =	simm.s32 $0x3B;
	v3 =	vld [tilespmem:s25+$0x0];
	p0 =	sge.f32 s22, $6.400000000e+01;
	s24 =	smov.u32 s22  }
.LBB2_32:
0x1bf: {  	s29 =	smov.u32 s17  }
0x1c0: {  	p2 =	sne.s32 s26, $0x0;
	v4, _, _ =	vpop (xrf2);
	s29 =	smov.u32 @p0 s28  }
0x1c1: {  	s28 =	scvt.s32.f32 s23;
	s23 =	smov.u32 s21;
	(v2sf) =	vpush v4, $0xF;
	s17 =	smov.u32 @p1 s29  }
.Ltmp15:
0x1c2: {  	s21 =	smov.u32 s20;
	s29 =	spop (v2sf);
	(pc) =	sbr.rel @p2 .LBB2_32-.Ltmp15, $4  }
0x1c3: {  	s20 =	smov.u32 s19;
	s28 =	smul.f32 s28, s16;
	s22 =	sadd.f32 s29, s22  }
0x1c4: {  	s19 =	smov.u32 s18;
	s18 =	smov.u32 s26;
	(xrf2) =	vadd.scan.msk.f32 $0xffff, v3  }
0x1c5: {  	s25 =	sadd.s32 $0xFFFFFFF0, s25;
	s28 =	sadd.f32 s28, s15;
	p0 =	sge.f32 s22, $6.400000000e+01  }
0x1c6: {  	s26 =	sadd.s32 $0xFFFFFFFF, s26;
	p1 =	slt.f32 s24, $6.400000000e+01;
	s24 =	smov.u32 s22;
	v3 =	vld [tilespmem:s25+$0x0]  }
0x1c7: {  	_ =	sdelay $0x3  }
0x1c8: {  	v4, _, _ =	vpop (xrf2);
	(xrf2) =	vadd.scan.msk.f32 $0xffff, v3;
	_ =	sdelay $0x2  }
0x1c9: {  	(v2sf) =	vpush v4, $0xF;
	_ =	sdelay $0x2  }
0x1ca: {  	v3, _, _ =	vpop (xrf2)  }
0x1cb: {  	s26 =	spop (v2sf);
	(v2sf) =	vpush v3, $0xF;
	_ =	sdelay $0x1  }
0x1cc: {  	s23 =	scvt.s32.f32 s23  }
0x1cd: {  	s22 =	sadd.f32 s26, s22;
	v3, _, _ =	vpop (xrf2)  }
0x1ce: {  	s25 =	smov.u32 s17;
	s23 =	smul.f32 s23, s16;
	s26 =	spop (v2sf);
	(v2sf) =	vpush v3, $0xF  }
0x1cf: {  	s21 =	scvt.s32.f32 s21;
	s25 =	smov.u32 @p0 s28  }
0x1d0: {  	s17 =	smov.u32 @p1 s25;
	p0 =	sge.f32 s22, $6.400000000e+01;
	s23 =	sadd.f32 s23, s15  }
0x1d1: {  	p1 =	slt.f32 s24, $6.400000000e+01;
	s24 =	smov.u32 s17  }
0x1d2: {  	s21 =	smul.f32 s21, s16;
	s24 =	smov.u32 @p0 s23;
	s23 =	sadd.f32 s26, s22  }
0x1d3: {  	s20 =	scvt.s32.f32 s20  }
0x1d4: {  	s21 =	sadd.f32 s21, s15;
	s17 =	smov.u32 @p1 s24;
	p0 =	sge.f32 s23, $6.400000000e+01  }
0x1d5: {  	p1 =	slt.f32 s22, $6.400000000e+01;
	s22 =	smov.u32 s17;
	s28 =	spop (v2sf)  }
0x1d6: {  	s20 =	smul.f32 s20, s16;
	s22 =	smov.u32 @p0 s21;
	s21 =	sadd.f32 s28, s23  }
0x1d7: {  	s19 =	scvt.s32.f32 s19  }
0x1d8: {  	s20 =	sadd.f32 s20, s15;
	s17 =	smov.u32 @p1 s22;
	p0 =	sge.f32 s21, $6.400000000e+01  }
0x1d9: {  	s19 =	smul.f32 s19, s16;
	s22 =	smov.u32 s17;
	s29 =	spop (v2sf)  }
0x1da: {  	p1 =	slt.f32 s23, $6.400000000e+01;
	s22 =	smov.u32 @p0 s20;
	s20 =	sadd.f32 s29, s21  }
0x1db: {  	s18 =	scvt.s32.f32 s18  }
0x1dc: {  	s19 =	sadd.f32 s19, s15;
	s17 =	smov.u32 @p1 s22;
	p0 =	sge.f32 s20, $6.400000000e+01  }
0x1dd: {  	p1 =	slt.f32 s21, $6.400000000e+01;
	s21 =	smov.u32 s17;
	s30 =	spop (v2sf)  }
0x1de: {  	s31 =	smul.f32 s18, s16;
	s21 =	smov.u32 @p0 s19;
	s19 =	sadd.f32 s30, s20  }
0x1df: {  	_ = 	snop  }
0x1e0: {  	s15 =	sadd.f32 s31, s15;
	s17 =	smov.u32 @p1 s21;
	p0 =	sge.f32 s19, $6.400000000e+01  }
0x1e1: {  	p1 =	slt.f32 s20, $6.400000000e+01;
	s16 =	smov.u32 s17  }
0x1e2: {  	s16 =	smov.u32 @p0 s15  }
0x1e3: {  	s17 =	smov.u32 @p1 s16  }
0x1e4: {  	v3 =	vmov s17  }
0x1e5: {  	[tilespmem:$0x8580] =	vst v3  }
0x1e6: {  	[tilespmem:$0x8590] =	vst v3  }
0x1e7: {  	[tilespmem:$0x85A0] =	vst v3  }
0x1e8: {  	[tilespmem:$0x85B0] =	vst v3  }
0x1e9: {  	[tilespmem:$0x85C0] =	vst v3  }
0x1ea: {  	s14 =	sadd.s32 $0x1, s14;
	[tilespmem:$0x85D0] =	vst v3  }
0x1eb: {  	p0 =	sne.s32 s14, s8;
	[tilespmem:$0x85E0] =	vst v3  }
.Ltmp16:
0x1ec: {  	[tilespmem:$0x85F0] =	vst v3;
	(pc) =	sbr.rel @p0 .LBB2_1-.Ltmp16, $4  }
0x1ed: {  	[hbm4b:s7+s2] =	stream.linear.scatter [tilespmem:s13], [sflag:$0x1], $0x200, $0x38;
	[tilespmem:$0x8600] =	vst v63  }
0x1ee: {  	_ =	swait.ge [sflag:s11], $0x200  }
0x1ef: {  	[sflag:s11] =	ssyncset.done $0x0  }
0x1f0: {  	[sflag:s11] =	ssyncadd.s32 $0xFFFFFE00  }
0x1f1: {  	_ =	sfence.sel $0x180000  }
0x1f2: {  	[bflag:$0x0] =	sbarrier.arrive $0xFFFF  }
0x1f3: {  	p0 =	sne.s32 s1, $0x0;
	_ =	strace $0x90000047  }
0x1f4: {  	s0 =	sadd.s32 @!p0 $0x100000, s0;
	[bflag:$0x2] =	sbarrier.arrive $0xFFFF  }
0x1f5: {  	[sflag:s0] =	ssyncadd.tile.s32 @!p0 $0x1;
	_ =	shalt  }
.Lfunc_end2:
_tile_overlayer_lowered:
.L_overlay_start_2:
0x1f6: {  	(tag) =	ssettag $0x2  }
0x1f7: {  	s0 =	rddreg [dreg:$0x0];
	s2 =	stileid.u32  }
0x1f8: {  	s1 =	rddreg [dreg:$0x1];
	p0 =	sne.s32 s2, $0x0  }
0x1f9: {  	s3 =	rddreg [dreg:$0x2];
	[bflag:$0x3] =	sbarrier.arrive $0xFFFF;
	s2 =	simm.s32 @!p0 $0x1C01  }
0x1fa: {  	[timem:s3], [sflag:s2] =	dma.local @!p0 [hbm:s0], s1  }
0x1fb: {  	s0 =	simm.s32 @!p0 $0x1  }
0x1fc: {  	_ =	swait.ge @!p0 [sflag:s0], s1  }
0x1fd: {  	s1 =	ssub.s32 @!p0 $0x0, s1;
	[sflag:s0] =	ssyncset.done @!p0 $0x0  }
0x1fe: {  	[sflag:s0] =	ssyncadd.s32 @!p0 s1  }
0x1ff: {  	[bflag:$0x3] =	sbarrier.arrive $0xFFFF  }
0x200: {  	_ =	shalt  }

</sc_bundles>
